<compile_context>
chip_gen: v7x
topology: tpu7x:2x2x1
jax: 0.10.2.dev20260603
libtpu: 0.0.44.dev20260713+nightly
codegen_flags: <defaults>
</compile_context>

<pallas_src>
import functools

import jax
import jax.numpy as jnp
from jax import lax
from jax.experimental import pallas as pl
from jax.experimental.pallas import tpu as pltpu
from jax.experimental.pallas import tpu_sc as plsc

MAXLEN = 200
EMBED = 32
NC = 2
NS = 16
NW = NC * NS
LANES = 16

CHUNK = 800
REPS = CHUNK // MAXLEN


def _make_kernel(total_rows: int):
  rows_per_w = total_rows // NW
  nchunks = rows_per_w // CHUNK
  mesh = plsc.VectorSubcoreMesh(core_axis_name="c", subcore_axis_name="s")

  @functools.partial(
      pl.kernel,
      mesh=mesh,
      out_type=jax.ShapeDtypeStruct((total_rows, EMBED), jnp.float32),
      compiler_params=pltpu.CompilerParams(use_tc_tiling_on_sc=False),
      scratch_types=[
          pltpu.VMEM((rows_per_w,), jnp.int32),
          pltpu.VMEM((2, CHUNK, EMBED), jnp.float32),
          pltpu.VMEM((MAXLEN, EMBED), jnp.float32),
          pltpu.SemaphoreType.DMA,
          pltpu.SemaphoreType.DMA,
          pltpu.SemaphoreType.DMA,
          pltpu.SemaphoreType.DMA,
      ],
  )
  def emb_kernel(x_hbm, tok_hbm, pos_hbm, out_hbm,
                 idx_v, rows_v, pos_v, gsem0, gsem1, osem0, osem1):
    wid = lax.axis_index("s") * NC + lax.axis_index("c")
    base0 = wid * rows_per_w
    gsems = (gsem0, gsem1)
    osems = (osem0, osem1)

    pltpu.sync_copy(pos_hbm, pos_v)
    pltpu.sync_copy(x_hbm.at[pl.ds(base0, rows_per_w)], idx_v)

    def gather(ci, b, sem):
      pltpu.async_copy(
          tok_hbm.at[idx_v.at[pl.ds(ci * CHUNK, CHUNK)]], rows_v.at[b], sem)

    def out_slice(ci):
      return out_hbm.at[pl.ds(base0 + ci * CHUNK, CHUNK)]

    gather(0, 0, gsems[0])

    @pl.loop(0, nchunks, step=2)
    def chunk_loop(ci0):
      for b in range(2):
        nb = 1 - b
        ci = ci0 + b

        @pl.when(ci + 1 < nchunks)
        def _issue_next():
          @pl.when(ci >= 1)
          def _drain_prev_out():
            pltpu.make_async_copy(rows_v.at[nb], out_slice(0), osems[nb]).wait()
          gather(ci + 1, nb, gsems[nb])

        pltpu.make_async_copy(
            tok_hbm.at[idx_v.at[pl.ds(0, CHUNK)]], rows_v.at[b],
            gsems[b]).wait()

        @pl.loop(0, MAXLEN, unroll=2)
        def t_body(t):
          pv0 = pos_v[t, pl.ds(0, LANES)]
          pv1 = pos_v[t, pl.ds(LANES, LANES)]
          for rep in range(REPS):
            r = rep * MAXLEN + t
            rows_v[b, r, pl.ds(0, LANES)] = rows_v[b, r, pl.ds(0, LANES)] + pv0
            rows_v[b, r, pl.ds(LANES, LANES)] = (
                rows_v[b, r, pl.ds(LANES, LANES)] + pv1)

        pltpu.async_copy(rows_v.at[b], out_slice(ci), osems[b])

    pltpu.make_async_copy(rows_v.at[0], out_slice(0), osems[nchunks % 2]).wait()
    pltpu.make_async_copy(rows_v.at[1], out_slice(0),
                          osems[(nchunks + 1) % 2]).wait()

  return emb_kernel


def kernel(x, token_table, pos_table):
  batch, maxlen = x.shape
  x_flat = x.reshape(-1).astype(jnp.int32)
  out = _make_kernel(x_flat.shape[0])(x_flat, token_table, pos_table)
  return out.reshape(batch, maxlen, EMBED)

# --- scband reference (transcript-rebuilt; emitter-appended) ---
"""Pipeline reference for scband-token-and-position-embedding-64802466562714 (READ-ONLY COPY).

The authoritative reference and input builder live on the scoring server;
editing this copy changes nothing except your own understanding.
"""

import jax, jax.numpy as jnp
import numpy as np

MAXLEN = 200
VOCAB_SIZE = 1000000
EMBED_DIM = 32
BATCH = 4096


def setup_inputs(seed: int = 0) -> dict:
    key = jax.random.key(seed)
    k1, k2, k3 = jax.random.split(key, 3)
    x = jax.random.randint(k1, (BATCH, MAXLEN), 0, VOCAB_SIZE, dtype=jnp.int64 if jax.config.jax_enable_x64 else jnp.int32)
    token_table = jax.random.normal(k2, (VOCAB_SIZE, EMBED_DIM), dtype=jnp.float32) * 0.02
    pos_table = jax.random.normal(k3, (MAXLEN, EMBED_DIM), dtype=jnp.float32) * 0.02
    return {"x": x, "token_table": token_table, "pos_table": pos_table}


def reference(x, token_table, pos_table):
    # maxlen = tf.shape(x)[-1]; positions = range(maxlen)
    maxlen = x.shape[-1]
    positions = jnp.arange(0, maxlen, 1)
    pos_emb = jnp.take(pos_table, positions, axis=0)          # [maxlen, embed_dim]
    tok_emb = jnp.take(token_table, x, axis=0)                # [B, maxlen, embed_dim]
    return tok_emb + pos_emb

if __name__ == "__main__":
    import jax
    _d = setup_inputs()
    print(jax.jit(kernel)(*tuple(_d.values())))

</pallas_src>

<mosaic_0001>
#map = affine_map<(d0, d1) -> (0)>
#map1 = affine_map<(d0, d1) -> (0, 0)>
module attributes {stable_mosaic.version = 14 : i64} {
  func.func @emb_kernel(%arg0: i32, %arg1: i32, %arg2: memref<819200xi32, #tpu.memory_space<hbm>>, %arg3: memref<1000000x32xf32, #tpu.memory_space<hbm>>, %arg4: memref<200x32xf32, #tpu.memory_space<hbm>>, %arg5: memref<819200x32xf32, #tpu.memory_space<hbm>>, %arg6: memref<25600xi32, #tpu.memory_space<vmem>>, %arg7: memref<2x800x32xf32, #tpu.memory_space<vmem>>, %arg8: memref<200x32xf32, #tpu.memory_space<vmem>>, %arg9: memref<!tpu.dma_semaphore, #tpu.memory_space<semaphore_mem>>, %arg10: memref<!tpu.dma_semaphore, #tpu.memory_space<semaphore_mem>>, %arg11: memref<!tpu.dma_semaphore, #tpu.memory_space<semaphore_mem>>, %arg12: memref<!tpu.dma_semaphore, #tpu.memory_space<semaphore_mem>>) attributes {dimension_semantics = [#tpu.dimension_semantics<core_parallel>, #tpu.dimension_semantics<subcore_parallel>], iteration_bounds = array<i64: 2, 16>, scalar_prefetch = 0 : i64, scratch_operands = 7 : i64, tpu.core_type = #tpu.core_type<sc_vector_subcore>, window_params = [{transform_indices = #map}, {transform_indices = #map1}, {transform_indices = #map1}, {transform_indices = #map1}]} {
    %mul3A = arith.constant 2 : i32
    %mul3A_0 = arith.muli %arg1, %mul3A : i32
    %add3A = arith.addi %mul3A_0, %arg0 : i32
    %mul3A_1 = arith.constant 25600 : i32
    %mul3A_2 = arith.muli %add3A, %mul3A_1 : i32
    "tpu.region"() ({
      %run_scoped3A = tpu.sem_alloc : memref<!tpu.dma_semaphore, #tpu.memory_space<semaphore_mem>>
      tpu.enqueue_dma source(%arg4 : memref<200x32xf32, #tpu.memory_space<hbm>>) target(%arg8 : memref<200x32xf32, #tpu.memory_space<vmem>>) target_semaphore(%run_scoped3A : memref<!tpu.dma_semaphore, #tpu.memory_space<semaphore_mem>>)
      tpu.wait_dma2 semaphore(%run_scoped3A : memref<!tpu.dma_semaphore, #tpu.memory_space<semaphore_mem>>) src(%arg4 : memref<200x32xf32, #tpu.memory_space<hbm>>) dst(%arg8 : memref<200x32xf32, #tpu.memory_space<vmem>>)
      tpu.yield
    }) : () -> ()
    "tpu.region"() ({
      %run_scoped3A = tpu.sem_alloc : memref<!tpu.dma_semaphore, #tpu.memory_space<semaphore_mem>>
      %dma_start3A_45 = tpu.memref_slice %arg2[%mul3A_2] : memref<819200xi32, #tpu.memory_space<hbm>> -> memref<25600xi32, #tpu.memory_space<hbm>>
      %dma_start3A_46 = tpu.memref_slice %arg2[%mul3A_2] : memref<819200xi32, #tpu.memory_space<hbm>> -> memref<25600xi32, #tpu.memory_space<hbm>>
      tpu.enqueue_dma source(%dma_start3A_46 : memref<25600xi32, #tpu.memory_space<hbm>>) target(%arg6 : memref<25600xi32, #tpu.memory_space<vmem>>) target_semaphore(%run_scoped3A : memref<!tpu.dma_semaphore, #tpu.memory_space<semaphore_mem>>)
      %dma_wait3A_47 = tpu.memref_slice %arg2[%mul3A_2] : memref<819200xi32, #tpu.memory_space<hbm>> -> memref<25600xi32, #tpu.memory_space<hbm>>
      %dma_wait3A_48 = tpu.memref_slice %arg2[%mul3A_2] : memref<819200xi32, #tpu.memory_space<hbm>> -> memref<25600xi32, #tpu.memory_space<hbm>>
      tpu.wait_dma2 semaphore(%run_scoped3A : memref<!tpu.dma_semaphore, #tpu.memory_space<semaphore_mem>>) src(%dma_wait3A_48 : memref<25600xi32, #tpu.memory_space<hbm>>) dst(%arg6 : memref<25600xi32, #tpu.memory_space<vmem>>)
      tpu.yield
    }) : () -> ()
    %dma_start3A = arith.constant 0 : i32
    %dma_start3A_3 = arith.constant 0 : i32
    %dma_start3A_4 = arith.constant 0 : i32
    %dma_start3A_5 = tpu.memref_slice %arg7[%dma_start3A, %dma_start3A_3, %dma_start3A_4] : memref<2x800x32xf32, #tpu.memory_space<vmem>> -> memref<1x800x32xf32, #tpu.memory_space<vmem>>
    %dma_start3A_6 = tpu.memref_squeeze %dma_start3A_5 : memref<1x800x32xf32, #tpu.memory_space<vmem>> -> memref<800x32xf32, #tpu.memory_space<vmem>>
    %dma_start3A_7 = arith.constant 0 : i32
    %dma_start3A_8 = tpu.memref_slice %arg6[%dma_start3A_7] : memref<25600xi32, #tpu.memory_space<vmem>> -> memref<800xi32, #tpu.memory_space<vmem>>
    %dma_start3A_9 = arith.constant 0 : i32
    %dma_start3A_10 = arith.constant 0 : i32
    %dma_start3A_11 = tpu.memref_slice %arg3[%dma_start3A_9, %dma_start3A_10] : memref<1000000x32xf32, #tpu.memory_space<hbm>> -> memref<1000000x32xf32, #tpu.memory_space<hbm>>
    tpu.enqueue_indirect_dma source(%dma_start3A_11 : memref<1000000x32xf32, #tpu.memory_space<hbm>>) target(%dma_start3A_6 : memref<800x32xf32, #tpu.memory_space<vmem>>) offsets(%dma_start3A_8 : memref<800xi32, #tpu.memory_space<vmem>>) semaphore(%arg9 : memref<!tpu.dma_semaphore, #tpu.memory_space<semaphore_mem>>)
    %scan3A = arith.constant 0 : i32
    %scan3A_12 = arith.constant 16 : i32
    %scan3A_13 = arith.addi %scan3A, %scan3A_12 : i32
    %scan3A_14 = arith.constant 1 : i32
    scf.for %scan3A_45 = %scan3A to %scan3A_13 step %scan3A_14  : i32 {
      %mul3A_46 = arith.constant 2 : i32
      %mul3A_47 = arith.muli %scan3A_45, %mul3A_46 : i32
      %add3A_48 = arith.constant 0 : i32
      %add3A_49 = arith.addi %add3A_48, %mul3A_47 : i32
      %add3A_50 = arith.constant 0 : i32
      %add3A_51 = arith.addi %add3A_49, %add3A_50 : i32
      %add3A_52 = arith.constant 1 : i32
      %add3A_53 = arith.addi %add3A_51, %add3A_52 : i32
      %lt3A = arith.constant 32 : i32
      %lt3A_54 = arith.cmpi slt, %add3A_53, %lt3A : i32
      %convert_element_type3A = arith.extui %lt3A_54 : i1 to i32
      %cond3A = arith.constant 0 : i32
      %cond3A_55 = arith.cmpi ne, %convert_element_type3A, %cond3A : i32
      scf.if %cond3A_55 {
        %ge3A = arith.constant 1 : i32
        %ge3A_127 = arith.cmpi sge, %add3A_51, %ge3A : i32
        %convert_element_type3A_128 = arith.extui %ge3A_127 : i1 to i32
        %cond3A_129 = arith.constant 0 : i32
        %cond3A_130 = arith.cmpi ne, %convert_element_type3A_128, %cond3A_129 : i32
        scf.if %cond3A_130 {
          %add3A_144 = arith.constant 0 : i32
          %add3A_145 = arith.addi %mul3A_2, %add3A_144 : i32
          %dma_wait3A_146 = arith.constant 1 : i32
          %dma_wait3A_147 = arith.constant 0 : i32
          %dma_wait3A_148 = arith.constant 0 : i32
          %dma_wait3A_149 = tpu.memref_slice %arg7[%dma_wait3A_146, %dma_wait3A_147, %dma_wait3A_148] : memref<2x800x32xf32, #tpu.memory_space<vmem>> -> memref<1x800x32xf32, #tpu.memory_space<vmem>>
          %dma_wait3A_150 = tpu.memref_squeeze %dma_wait3A_149 : memref<1x800x32xf32, #tpu.memory_space<vmem>> -> memref<800x32xf32, #tpu.memory_space<vmem>>
          %dma_wait3A_151 = arith.constant 0 : i32
          %dma_wait3A_152 = tpu.memref_slice %arg5[%add3A_145, %dma_wait3A_151] : memref<819200x32xf32, #tpu.memory_space<hbm>> -> memref<800x32xf32, #tpu.memory_space<hbm>>
          %dma_wait3A_153 = arith.constant 0 : i32
          %dma_wait3A_154 = tpu.memref_slice %arg5[%add3A_145, %dma_wait3A_153] : memref<819200x32xf32, #tpu.memory_space<hbm>> -> memref<800x32xf32, #tpu.memory_space<hbm>>
          %dma_wait3A_155 = arith.constant 0 : i32
          %dma_wait3A_156 = arith.constant 0 : i32
          %dma_wait3A_157 = tpu.memref_slice %arg7[%dma_wait3A_146, %dma_wait3A_155, %dma_wait3A_156] : memref<2x800x32xf32, #tpu.memory_space<vmem>> -> memref<1x800x32xf32, #tpu.memory_space<vmem>>
          %dma_wait3A_158 = tpu.memref_squeeze %dma_wait3A_157 : memref<1x800x32xf32, #tpu.memory_space<vmem>> -> memref<800x32xf32, #tpu.memory_space<vmem>>
          tpu.wait_dma2 semaphore(%arg12 : memref<!tpu.dma_semaphore, #tpu.memory_space<semaphore_mem>>) src(%dma_wait3A_158 : memref<800x32xf32, #tpu.memory_space<vmem>>) dst(%dma_wait3A_154 : memref<800x32xf32, #tpu.memory_space<hbm>>)
        } else {
        }
        %add3A_131 = arith.constant 1 : i32
        %add3A_132 = arith.addi %add3A_51, %add3A_131 : i32
        %mul3A_133 = arith.constant 800 : i32
        %mul3A_134 = arith.muli %add3A_132, %mul3A_133 : i32
        %dma_start3A_135 = arith.constant 1 : i32
        %dma_start3A_136 = arith.constant 0 : i32
        %dma_start3A_137 = arith.constant 0 : i32
        %dma_start3A_138 = tpu.memref_slice %arg7[%dma_start3A_135, %dma_start3A_136, %dma_start3A_137] : memref<2x800x32xf32, #tpu.memory_space<vmem>> -> memref<1x800x32xf32, #tpu.memory_space<vmem>>
        %dma_start3A_139 = tpu.memref_squeeze %dma_start3A_138 : memref<1x800x32xf32, #tpu.memory_space<vmem>> -> memref<800x32xf32, #tpu.memory_space<vmem>>
        %dma_start3A_140 = tpu.memref_slice %arg6[%mul3A_134] : memref<25600xi32, #tpu.memory_space<vmem>> -> memref<800xi32, #tpu.memory_space<vmem>>
        %dma_start3A_141 = arith.constant 0 : i32
        %dma_start3A_142 = arith.constant 0 : i32
        %dma_start3A_143 = tpu.memref_slice %arg3[%dma_start3A_141, %dma_start3A_142] : memref<1000000x32xf32, #tpu.memory_space<hbm>> -> memref<1000000x32xf32, #tpu.memory_space<hbm>>
        tpu.enqueue_indirect_dma source(%dma_start3A_143 : memref<1000000x32xf32, #tpu.memory_space<hbm>>) target(%dma_start3A_139 : memref<800x32xf32, #tpu.memory_space<vmem>>) offsets(%dma_start3A_140 : memref<800xi32, #tpu.memory_space<vmem>>) semaphore(%arg10 : memref<!tpu.dma_semaphore, #tpu.memory_space<semaphore_mem>>)
      } else {
      }
      %dma_wait3A_56 = arith.constant 0 : i32
      %dma_wait3A_57 = arith.constant 0 : i32
      %dma_wait3A_58 = arith.constant 0 : i32
      %dma_wait3A_59 = tpu.memref_slice %arg7[%dma_wait3A_56, %dma_wait3A_57, %dma_wait3A_58] : memref<2x800x32xf32, #tpu.memory_space<vmem>> -> memref<1x800x32xf32, #tpu.memory_space<vmem>>
      %dma_wait3A_60 = tpu.memref_squeeze %dma_wait3A_59 : memref<1x800x32xf32, #tpu.memory_space<vmem>> -> memref<800x32xf32, #tpu.memory_space<vmem>>
      %dma_wait3A_61 = arith.constant 0 : i32
      %dma_wait3A_62 = tpu.memref_slice %arg6[%dma_wait3A_61] : memref<25600xi32, #tpu.memory_space<vmem>> -> memref<800xi32, #tpu.memory_space<vmem>>
      %dma_wait3A_63 = arith.constant 0 : i32
      %dma_wait3A_64 = arith.constant 0 : i32
      %dma_wait3A_65 = tpu.memref_slice %arg3[%dma_wait3A_63, %dma_wait3A_64] : memref<1000000x32xf32, #tpu.memory_space<hbm>> -> memref<1000000x32xf32, #tpu.memory_space<hbm>>
      tpu.wait_indirect_dma semaphore(%arg9 : memref<!tpu.dma_semaphore, #tpu.memory_space<semaphore_mem>>) src(%dma_wait3A_65 : memref<1000000x32xf32, #tpu.memory_space<hbm>>) dst(%dma_wait3A_60 : memref<800x32xf32, #tpu.memory_space<vmem>>)
      %scan3A_66 = arith.constant 0 : i32
      %scan3A_67 = arith.constant 200 : i32
      %scan3A_68 = arith.addi %scan3A_66, %scan3A_67 : i32
      %scan3A_69 = arith.constant 2 : i32
      scf.for %scan3A_127 = %scan3A_66 to %scan3A_68 step %scan3A_69  : i32 {
        %mul3A_128 = arith.constant 1 : i32
        %mul3A_129 = arith.muli %scan3A_127, %mul3A_128 : i32
        %add3A_130 = arith.constant 0 : i32
        %add3A_131 = arith.addi %add3A_130, %mul3A_129 : i32
        %get3A = arith.index_cast %add3A_131 : i32 to index
        %get3A_132 = arith.constant 0 : index
        %get3A_133 = tpu.vector_load %arg8[%get3A, %get3A_132] {strides = array<i32>} : memref<200x32xf32, #tpu.memory_space<vmem>>, vector<1x16xf32>,
        %get3A_134 = vector.shape_cast %get3A_133 : vector<1x16xf32> to vector<16xf32>
        %get3A_135 = arith.index_cast %add3A_131 : i32 to index
        %get3A_136 = arith.constant 16 : index
        %get3A_137 = tpu.vector_load %arg8[%get3A_135, %get3A_136] {strides = array<i32>} : memref<200x32xf32, #tpu.memory_space<vmem>>, vector<1x16xf32>,
        %get3A_138 = vector.shape_cast %get3A_137 : vector<1x16xf32> to vector<16xf32>
        %add3A_139 = arith.constant 0 : i32
        %add3A_140 = arith.addi %add3A_139, %add3A_131 : i32
        %get3A_141 = arith.constant 0 : i32
        %get3A_142 = arith.index_cast %get3A_141 : i32 to index
        %get3A_143 = arith.index_cast %add3A_140 : i32 to index
        %get3A_144 = arith.constant 0 : index
        %get3A_145 = tpu.vector_load %arg7[%get3A_142, %get3A_143, %get3A_144] {strides = array<i32>} : memref<2x800x32xf32, #tpu.memory_space<vmem>>, vector<1x1x16xf32>,
        %get3A_146 = vector.shape_cast %get3A_145 : vector<1x1x16xf32> to vector<16xf32>
        %add3A_147 = arith.addf %get3A_146, %get3A_134 : vector<16xf32>
        %swap3A = arith.constant 0 : i32
        %swap3A_148 = arith.index_cast %swap3A : i32 to index
        %swap3A_149 = arith.index_cast %add3A_140 : i32 to index
        %swap3A_150 = arith.constant 0 : index
        %swap3A_151 = tpu.vector_load %arg7[%swap3A_148, %swap3A_149, %swap3A_150] {strides = array<i32>} : memref<2x800x32xf32, #tpu.memory_space<vmem>>, vector<1x1x16xf32>,
        %swap3A_152 = vector.shape_cast %swap3A_151 : vector<1x1x16xf32> to vector<16xf32>
        %swap3A_153 = vector.shape_cast %add3A_147 : vector<16xf32> to vector<1x1x16xf32>
        tpu.vector_store %arg7[%swap3A_148, %swap3A_149, %swap3A_150], %swap3A_153 {strides = array<i32>} : memref<2x800x32xf32, #tpu.memory_space<vmem>>, vector<1x1x16xf32>,
        %get3A_154 = arith.constant 0 : i32
        %get3A_155 = arith.index_cast %get3A_154 : i32 to index
        %get3A_156 = arith.index_cast %add3A_140 : i32 to index
        %get3A_157 = arith.constant 16 : index
        %get3A_158 = tpu.vector_load %arg7[%get3A_155, %get3A_156, %get3A_157] {strides = array<i32>} : memref<2x800x32xf32, #tpu.memory_space<vmem>>, vector<1x1x16xf32>,
        %get3A_159 = vector.shape_cast %get3A_158 : vector<1x1x16xf32> to vector<16xf32>
        %add3A_160 = arith.addf %get3A_159, %get3A_138 : vector<16xf32>
        %swap3A_161 = arith.constant 0 : i32
        %swap3A_162 = arith.index_cast %swap3A_161 : i32 to index
        %swap3A_163 = arith.index_cast %add3A_140 : i32 to index
        %swap3A_164 = arith.constant 16 : index
        %swap3A_165 = tpu.vector_load %arg7[%swap3A_162, %swap3A_163, %swap3A_164] {strides = array<i32>} : memref<2x800x32xf32, #tpu.memory_space<vmem>>, vector<1x1x16xf32>,
        %swap3A_166 = vector.shape_cast %swap3A_165 : vector<1x1x16xf32> to vector<16xf32>
        %swap3A_167 = vector.shape_cast %add3A_160 : vector<16xf32> to vector<1x1x16xf32>
        tpu.vector_store %arg7[%swap3A_162, %swap3A_163, %swap3A_164], %swap3A_167 {strides = array<i32>} : memref<2x800x32xf32, #tpu.memory_space<vmem>>, vector<1x1x16xf32>,
        %add3A_168 = arith.constant 200 : i32
        %add3A_169 = arith.addi %add3A_168, %add3A_131 : i32
        %get3A_170 = arith.constant 0 : i32
        %get3A_171 = arith.index_cast %get3A_170 : i32 to index
        %get3A_172 = arith.index_cast %add3A_169 : i32 to index
        %get3A_173 = arith.constant 0 : index
        %get3A_174 = tpu.vector_load %arg7[%get3A_171, %get3A_172, %get3A_173] {strides = array<i32>} : memref<2x800x32xf32, #tpu.memory_space<vmem>>, vector<1x1x16xf32>,
        %get3A_175 = vector.shape_cast %get3A_174 : vector<1x1x16xf32> to vector<16xf32>
        %add3A_176 = arith.addf %get3A_175, %get3A_134 : vector<16xf32>
        %swap3A_177 = arith.constant 0 : i32
        %swap3A_178 = arith.index_cast %swap3A_177 : i32 to index
        %swap3A_179 = arith.index_cast %add3A_169 : i32 to index
        %swap3A_180 = arith.constant 0 : index
        %swap3A_181 = tpu.vector_load %arg7[%swap3A_178, %swap3A_179, %swap3A_180] {strides = array<i32>} : memref<2x800x32xf32, #tpu.memory_space<vmem>>, vector<1x1x16xf32>,
        %swap3A_182 = vector.shape_cast %swap3A_181 : vector<1x1x16xf32> to vector<16xf32>
        %swap3A_183 = vector.shape_cast %add3A_176 : vector<16xf32> to vector<1x1x16xf32>
        tpu.vector_store %arg7[%swap3A_178, %swap3A_179, %swap3A_180], %swap3A_183 {strides = array<i32>} : memref<2x800x32xf32, #tpu.memory_space<vmem>>, vector<1x1x16xf32>,
        %get3A_184 = arith.constant 0 : i32
        %get3A_185 = arith.index_cast %get3A_184 : i32 to index
        %get3A_186 = arith.index_cast %add3A_169 : i32 to index
        %get3A_187 = arith.constant 16 : index
        %get3A_188 = tpu.vector_load %arg7[%get3A_185, %get3A_186, %get3A_187] {strides = array<i32>} : memref<2x800x32xf32, #tpu.memory_space<vmem>>, vector<1x1x16xf32>,
        %get3A_189 = vector.shape_cast %get3A_188 : vector<1x1x16xf32> to vector<16xf32>
        %add3A_190 = arith.addf %get3A_189, %get3A_138 : vector<16xf32>
        %swap3A_191 = arith.constant 0 : i32
        %swap3A_192 = arith.index_cast %swap3A_191 : i32 to index
        %swap3A_193 = arith.index_cast %add3A_169 : i32 to index
        %swap3A_194 = arith.constant 16 : index
        %swap3A_195 = tpu.vector_load %arg7[%swap3A_192, %swap3A_193, %swap3A_194] {strides = array<i32>} : memref<2x800x32xf32, #tpu.memory_space<vmem>>, vector<1x1x16xf32>,
        %swap3A_196 = vector.shape_cast %swap3A_195 : vector<1x1x16xf32> to vector<16xf32>
        %swap3A_197 = vector.shape_cast %add3A_190 : vector<16xf32> to vector<1x1x16xf32>
        tpu.vector_store %arg7[%swap3A_192, %swap3A_193, %swap3A_194], %swap3A_197 {strides = array<i32>} : memref<2x800x32xf32, #tpu.memory_space<vmem>>, vector<1x1x16xf32>,
        %add3A_198 = arith.constant 400 : i32
        %add3A_199 = arith.addi %add3A_198, %add3A_131 : i32
        %get3A_200 = arith.constant 0 : i32
        %get3A_201 = arith.index_cast %get3A_200 : i32 to index
        %get3A_202 = arith.index_cast %add3A_199 : i32 to index
        %get3A_203 = arith.constant 0 : index
        %get3A_204 = tpu.vector_load %arg7[%get3A_201, %get3A_202, %get3A_203] {strides = array<i32>} : memref<2x800x32xf32, #tpu.memory_space<vmem>>, vector<1x1x16xf32>,
        %get3A_205 = vector.shape_cast %get3A_204 : vector<1x1x16xf32> to vector<16xf32>
        %add3A_206 = arith.addf %get3A_205, %get3A_134 : vector<16xf32>
        %swap3A_207 = arith.constant 0 : i32
        %swap3A_208 = arith.index_cast %swap3A_207 : i32 to index
        %swap3A_209 = arith.index_cast %add3A_199 : i32 to index
        %swap3A_210 = arith.constant 0 : index
        %swap3A_211 = tpu.vector_load %arg7[%swap3A_208, %swap3A_209, %swap3A_210] {strides = array<i32>} : memref<2x800x32xf32, #tpu.memory_space<vmem>>, vector<1x1x16xf32>,
        %swap3A_212 = vector.shape_cast %swap3A_211 : vector<1x1x16xf32> to vector<16xf32>
        %swap3A_213 = vector.shape_cast %add3A_206 : vector<16xf32> to vector<1x1x16xf32>
        tpu.vector_store %arg7[%swap3A_208, %swap3A_209, %swap3A_210], %swap3A_213 {strides = array<i32>} : memref<2x800x32xf32, #tpu.memory_space<vmem>>, vector<1x1x16xf32>,
        %get3A_214 = arith.constant 0 : i32
        %get3A_215 = arith.index_cast %get3A_214 : i32 to index
        %get3A_216 = arith.index_cast %add3A_199 : i32 to index
        %get3A_217 = arith.constant 16 : index
        %get3A_218 = tpu.vector_load %arg7[%get3A_215, %get3A_216, %get3A_217] {strides = array<i32>} : memref<2x800x32xf32, #tpu.memory_space<vmem>>, vector<1x1x16xf32>,
        %get3A_219 = vector.shape_cast %get3A_218 : vector<1x1x16xf32> to vector<16xf32>
        %add3A_220 = arith.addf %get3A_219, %get3A_138 : vector<16xf32>
        %swap3A_221 = arith.constant 0 : i32
        %swap3A_222 = arith.index_cast %swap3A_221 : i32 to index
        %swap3A_223 = arith.index_cast %add3A_199 : i32 to index
        %swap3A_224 = arith.constant 16 : index
        %swap3A_225 = tpu.vector_load %arg7[%swap3A_222, %swap3A_223, %swap3A_224] {strides = array<i32>} : memref<2x800x32xf32, #tpu.memory_space<vmem>>, vector<1x1x16xf32>,
        %swap3A_226 = vector.shape_cast %swap3A_225 : vector<1x1x16xf32> to vector<16xf32>
        %swap3A_227 = vector.shape_cast %add3A_220 : vector<16xf32> to vector<1x1x16xf32>
        tpu.vector_store %arg7[%swap3A_222, %swap3A_223, %swap3A_224], %swap3A_227 {strides = array<i32>} : memref<2x800x32xf32, #tpu.memory_space<vmem>>, vector<1x1x16xf32>,
        %add3A_228 = arith.constant 600 : i32
        %add3A_229 = arith.addi %add3A_228, %add3A_131 : i32
        %get3A_230 = arith.constant 0 : i32
        %get3A_231 = arith.index_cast %get3A_230 : i32 to index
        %get3A_232 = arith.index_cast %add3A_229 : i32 to index
        %get3A_233 = arith.constant 0 : index
        %get3A_234 = tpu.vector_load %arg7[%get3A_231, %get3A_232, %get3A_233] {strides = array<i32>} : memref<2x800x32xf32, #tpu.memory_space<vmem>>, vector<1x1x16xf32>,
        %get3A_235 = vector.shape_cast %get3A_234 : vector<1x1x16xf32> to vector<16xf32>
        %add3A_236 = arith.addf %get3A_235, %get3A_134 : vector<16xf32>
        %swap3A_237 = arith.constant 0 : i32
        %swap3A_238 = arith.index_cast %swap3A_237 : i32 to index
        %swap3A_239 = arith.index_cast %add3A_229 : i32 to index
        %swap3A_240 = arith.constant 0 : index
        %swap3A_241 = tpu.vector_load %arg7[%swap3A_238, %swap3A_239, %swap3A_240] {strides = array<i32>} : memref<2x800x32xf32, #tpu.memory_space<vmem>>, vector<1x1x16xf32>,
        %swap3A_242 = vector.shape_cast %swap3A_241 : vector<1x1x16xf32> to vector<16xf32>
        %swap3A_243 = vector.shape_cast %add3A_236 : vector<16xf32> to vector<1x1x16xf32>
        tpu.vector_store %arg7[%swap3A_238, %swap3A_239, %swap3A_240], %swap3A_243 {strides = array<i32>} : memref<2x800x32xf32, #tpu.memory_space<vmem>>, vector<1x1x16xf32>,
        %get3A_244 = arith.constant 0 : i32
        %get3A_245 = arith.index_cast %get3A_244 : i32 to index
        %get3A_246 = arith.index_cast %add3A_229 : i32 to index
        %get3A_247 = arith.constant 16 : index
        %get3A_248 = tpu.vector_load %arg7[%get3A_245, %get3A_246, %get3A_247] {strides = array<i32>} : memref<2x800x32xf32, #tpu.memory_space<vmem>>, vector<1x1x16xf32>,
        %get3A_249 = vector.shape_cast %get3A_248 : vector<1x1x16xf32> to vector<16xf32>
        %add3A_250 = arith.addf %get3A_249, %get3A_138 : vector<16xf32>
        %swap3A_251 = arith.constant 0 : i32
        %swap3A_252 = arith.index_cast %swap3A_251 : i32 to index
        %swap3A_253 = arith.index_cast %add3A_229 : i32 to index
        %swap3A_254 = arith.constant 16 : index
        %swap3A_255 = tpu.vector_load %arg7[%swap3A_252, %swap3A_253, %swap3A_254] {strides = array<i32>} : memref<2x800x32xf32, #tpu.memory_space<vmem>>, vector<1x1x16xf32>,
        %swap3A_256 = vector.shape_cast %swap3A_255 : vector<1x1x16xf32> to vector<16xf32>
        %swap3A_257 = vector.shape_cast %add3A_250 : vector<16xf32> to vector<1x1x16xf32>
        tpu.vector_store %arg7[%swap3A_252, %swap3A_253, %swap3A_254], %swap3A_257 {strides = array<i32>} : memref<2x800x32xf32, #tpu.memory_space<vmem>>, vector<1x1x16xf32>,
        %scan3A_258 = arith.constant 1 : i32
        %scan3A_259 = arith.addi %scan3A_127, %scan3A_258 : i32
        %mul3A_260 = arith.constant 1 : i32
        %mul3A_261 = arith.muli %scan3A_259, %mul3A_260 : i32
        %add3A_262 = arith.constant 0 : i32
        %add3A_263 = arith.addi %add3A_262, %mul3A_261 : i32
        %get3A_264 = arith.index_cast %add3A_263 : i32 to index
        %get3A_265 = arith.constant 0 : index
        %get3A_266 = tpu.vector_load %arg8[%get3A_264, %get3A_265] {strides = array<i32>} : memref<200x32xf32, #tpu.memory_space<vmem>>, vector<1x16xf32>,
        %get3A_267 = vector.shape_cast %get3A_266 : vector<1x16xf32> to vector<16xf32>
        %get3A_268 = arith.index_cast %add3A_263 : i32 to index
        %get3A_269 = arith.constant 16 : index
        %get3A_270 = tpu.vector_load %arg8[%get3A_268, %get3A_269] {strides = array<i32>} : memref<200x32xf32, #tpu.memory_space<vmem>>, vector<1x16xf32>,
        %get3A_271 = vector.shape_cast %get3A_270 : vector<1x16xf32> to vector<16xf32>
        %add3A_272 = arith.constant 0 : i32
        %add3A_273 = arith.addi %add3A_272, %add3A_263 : i32
        %get3A_274 = arith.constant 0 : i32
        %get3A_275 = arith.index_cast %get3A_274 : i32 to index
        %get3A_276 = arith.index_cast %add3A_273 : i32 to index
        %get3A_277 = arith.constant 0 : index
        %get3A_278 = tpu.vector_load %arg7[%get3A_275, %get3A_276, %get3A_277] {strides = array<i32>} : memref<2x800x32xf32, #tpu.memory_space<vmem>>, vector<1x1x16xf32>,
        %get3A_279 = vector.shape_cast %get3A_278 : vector<1x1x16xf32> to vector<16xf32>
        %add3A_280 = arith.addf %get3A_279, %get3A_267 : vector<16xf32>
        %swap3A_281 = arith.constant 0 : i32
        %swap3A_282 = arith.index_cast %swap3A_281 : i32 to index
        %swap3A_283 = arith.index_cast %add3A_273 : i32 to index
        %swap3A_284 = arith.constant 0 : index
        %swap3A_285 = tpu.vector_load %arg7[%swap3A_282, %swap3A_283, %swap3A_284] {strides = array<i32>} : memref<2x800x32xf32, #tpu.memory_space<vmem>>, vector<1x1x16xf32>,
        %swap3A_286 = vector.shape_cast %swap3A_285 : vector<1x1x16xf32> to vector<16xf32>
        %swap3A_287 = vector.shape_cast %add3A_280 : vector<16xf32> to vector<1x1x16xf32>
        tpu.vector_store %arg7[%swap3A_282, %swap3A_283, %swap3A_284], %swap3A_287 {strides = array<i32>} : memref<2x800x32xf32, #tpu.memory_space<vmem>>, vector<1x1x16xf32>,
        %get3A_288 = arith.constant 0 : i32
        %get3A_289 = arith.index_cast %get3A_288 : i32 to index
        %get3A_290 = arith.index_cast %add3A_273 : i32 to index
        %get3A_291 = arith.constant 16 : index
        %get3A_292 = tpu.vector_load %arg7[%get3A_289, %get3A_290, %get3A_291] {strides = array<i32>} : memref<2x800x32xf32, #tpu.memory_space<vmem>>, vector<1x1x16xf32>,
        %get3A_293 = vector.shape_cast %get3A_292 : vector<1x1x16xf32> to vector<16xf32>
        %add3A_294 = arith.addf %get3A_293, %get3A_271 : vector<16xf32>
        %swap3A_295 = arith.constant 0 : i32
        %swap3A_296 = arith.index_cast %swap3A_295 : i32 to index
        %swap3A_297 = arith.index_cast %add3A_273 : i32 to index
        %swap3A_298 = arith.constant 16 : index
        %swap3A_299 = tpu.vector_load %arg7[%swap3A_296, %swap3A_297, %swap3A_298] {strides = array<i32>} : memref<2x800x32xf32, #tpu.memory_space<vmem>>, vector<1x1x16xf32>,
        %swap3A_300 = vector.shape_cast %swap3A_299 : vector<1x1x16xf32> to vector<16xf32>
        %swap3A_301 = vector.shape_cast %add3A_294 : vector<16xf32> to vector<1x1x16xf32>
        tpu.vector_store %arg7[%swap3A_296, %swap3A_297, %swap3A_298], %swap3A_301 {strides = array<i32>} : memref<2x800x32xf32, #tpu.memory_space<vmem>>, vector<1x1x16xf32>,
        %add3A_302 = arith.constant 200 : i32
        %add3A_303 = arith.addi %add3A_302, %add3A_263 : i32
        %get3A_304 = arith.constant 0 : i32
        %get3A_305 = arith.index_cast %get3A_304 : i32 to index
        %get3A_306 = arith.index_cast %add3A_303 : i32 to index
        %get3A_307 = arith.constant 0 : index
        %get3A_308 = tpu.vector_load %arg7[%get3A_305, %get3A_306, %get3A_307] {strides = array<i32>} : memref<2x800x32xf32, #tpu.memory_space<vmem>>, vector<1x1x16xf32>,
        %get3A_309 = vector.shape_cast %get3A_308 : vector<1x1x16xf32> to vector<16xf32>
        %add3A_310 = arith.addf %get3A_309, %get3A_267 : vector<16xf32>
        %swap3A_311 = arith.constant 0 : i32
        %swap3A_312 = arith.index_cast %swap3A_311 : i32 to index
        %swap3A_313 = arith.index_cast %add3A_303 : i32 to index
        %swap3A_314 = arith.constant 0 : index
        %swap3A_315 = tpu.vector_load %arg7[%swap3A_312, %swap3A_313, %swap3A_314] {strides = array<i32>} : memref<2x800x32xf32, #tpu.memory_space<vmem>>, vector<1x1x16xf32>,
        %swap3A_316 = vector.shape_cast %swap3A_315 : vector<1x1x16xf32> to vector<16xf32>
        %swap3A_317 = vector.shape_cast %add3A_310 : vector<16xf32> to vector<1x1x16xf32>
        tpu.vector_store %arg7[%swap3A_312, %swap3A_313, %swap3A_314], %swap3A_317 {strides = array<i32>} : memref<2x800x32xf32, #tpu.memory_space<vmem>>, vector<1x1x16xf32>,
        %get3A_318 = arith.constant 0 : i32
        %get3A_319 = arith.index_cast %get3A_318 : i32 to index
        %get3A_320 = arith.index_cast %add3A_303 : i32 to index
        %get3A_321 = arith.constant 16 : index
        %get3A_322 = tpu.vector_load %arg7[%get3A_319, %get3A_320, %get3A_321] {strides = array<i32>} : memref<2x800x32xf32, #tpu.memory_space<vmem>>, vector<1x1x16xf32>,
        %get3A_323 = vector.shape_cast %get3A_322 : vector<1x1x16xf32> to vector<16xf32>
        %add3A_324 = arith.addf %get3A_323, %get3A_271 : vector<16xf32>
        %swap3A_325 = arith.constant 0 : i32
        %swap3A_326 = arith.index_cast %swap3A_325 : i32 to index
        %swap3A_327 = arith.index_cast %add3A_303 : i32 to index
        %swap3A_328 = arith.constant 16 : index
        %swap3A_329 = tpu.vector_load %arg7[%swap3A_326, %swap3A_327, %swap3A_328] {strides = array<i32>} : memref<2x800x32xf32, #tpu.memory_space<vmem>>, vector<1x1x16xf32>,
        %swap3A_330 = vector.shape_cast %swap3A_329 : vector<1x1x16xf32> to vector<16xf32>
        %swap3A_331 = vector.shape_cast %add3A_324 : vector<16xf32> to vector<1x1x16xf32>
        tpu.vector_store %arg7[%swap3A_326, %swap3A_327, %swap3A_328], %swap3A_331 {strides = array<i32>} : memref<2x800x32xf32, #tpu.memory_space<vmem>>, vector<1x1x16xf32>,
        %add3A_332 = arith.constant 400 : i32
        %add3A_333 = arith.addi %add3A_332, %add3A_263 : i32
        %get3A_334 = arith.constant 0 : i32
        %get3A_335 = arith.index_cast %get3A_334 : i32 to index
        %get3A_336 = arith.index_cast %add3A_333 : i32 to index
        %get3A_337 = arith.constant 0 : index
        %get3A_338 = tpu.vector_load %arg7[%get3A_335, %get3A_336, %get3A_337] {strides = array<i32>} : memref<2x800x32xf32, #tpu.memory_space<vmem>>, vector<1x1x16xf32>,
        %get3A_339 = vector.shape_cast %get3A_338 : vector<1x1x16xf32> to vector<16xf32>
        %add3A_340 = arith.addf %get3A_339, %get3A_267 : vector<16xf32>
        %swap3A_341 = arith.constant 0 : i32
        %swap3A_342 = arith.index_cast %swap3A_341 : i32 to index
        %swap3A_343 = arith.index_cast %add3A_333 : i32 to index
        %swap3A_344 = arith.constant 0 : index
        %swap3A_345 = tpu.vector_load %arg7[%swap3A_342, %swap3A_343, %swap3A_344] {strides = array<i32>} : memref<2x800x32xf32, #tpu.memory_space<vmem>>, vector<1x1x16xf32>,
        %swap3A_346 = vector.shape_cast %swap3A_345 : vector<1x1x16xf32> to vector<16xf32>
        %swap3A_347 = vector.shape_cast %add3A_340 : vector<16xf32> to vector<1x1x16xf32>
        tpu.vector_store %arg7[%swap3A_342, %swap3A_343, %swap3A_344], %swap3A_347 {strides = array<i32>} : memref<2x800x32xf32, #tpu.memory_space<vmem>>, vector<1x1x16xf32>,
        %get3A_348 = arith.constant 0 : i32
        %get3A_349 = arith.index_cast %get3A_348 : i32 to index
        %get3A_350 = arith.index_cast %add3A_333 : i32 to index
        %get3A_351 = arith.constant 16 : index
        %get3A_352 = tpu.vector_load %arg7[%get3A_349, %get3A_350, %get3A_351] {strides = array<i32>} : memref<2x800x32xf32, #tpu.memory_space<vmem>>, vector<1x1x16xf32>,
        %get3A_353 = vector.shape_cast %get3A_352 : vector<1x1x16xf32> to vector<16xf32>
        %add3A_354 = arith.addf %get3A_353, %get3A_271 : vector<16xf32>
        %swap3A_355 = arith.constant 0 : i32
        %swap3A_356 = arith.index_cast %swap3A_355 : i32 to index
        %swap3A_357 = arith.index_cast %add3A_333 : i32 to index
        %swap3A_358 = arith.constant 16 : index
        %swap3A_359 = tpu.vector_load %arg7[%swap3A_356, %swap3A_357, %swap3A_358] {strides = array<i32>} : memref<2x800x32xf32, #tpu.memory_space<vmem>>, vector<1x1x16xf32>,
        %swap3A_360 = vector.shape_cast %swap3A_359 : vector<1x1x16xf32> to vector<16xf32>
        %swap3A_361 = vector.shape_cast %add3A_354 : vector<16xf32> to vector<1x1x16xf32>
        tpu.vector_store %arg7[%swap3A_356, %swap3A_357, %swap3A_358], %swap3A_361 {strides = array<i32>} : memref<2x800x32xf32, #tpu.memory_space<vmem>>, vector<1x1x16xf32>,
        %add3A_362 = arith.constant 600 : i32
        %add3A_363 = arith.addi %add3A_362, %add3A_263 : i32
        %get3A_364 = arith.constant 0 : i32
        %get3A_365 = arith.index_cast %get3A_364 : i32 to index
        %get3A_366 = arith.index_cast %add3A_363 : i32 to index
        %get3A_367 = arith.constant 0 : index
        %get3A_368 = tpu.vector_load %arg7[%get3A_365, %get3A_366, %get3A_367] {strides = array<i32>} : memref<2x800x32xf32, #tpu.memory_space<vmem>>, vector<1x1x16xf32>,
        %get3A_369 = vector.shape_cast %get3A_368 : vector<1x1x16xf32> to vector<16xf32>
        %add3A_370 = arith.addf %get3A_369, %get3A_267 : vector<16xf32>
        %swap3A_371 = arith.constant 0 : i32
        %swap3A_372 = arith.index_cast %swap3A_371 : i32 to index
        %swap3A_373 = arith.index_cast %add3A_363 : i32 to index
        %swap3A_374 = arith.constant 0 : index
        %swap3A_375 = tpu.vector_load %arg7[%swap3A_372, %swap3A_373, %swap3A_374] {strides = array<i32>} : memref<2x800x32xf32, #tpu.memory_space<vmem>>, vector<1x1x16xf32>,
        %swap3A_376 = vector.shape_cast %swap3A_375 : vector<1x1x16xf32> to vector<16xf32>
        %swap3A_377 = vector.shape_cast %add3A_370 : vector<16xf32> to vector<1x1x16xf32>
        tpu.vector_store %arg7[%swap3A_372, %swap3A_373, %swap3A_374], %swap3A_377 {strides = array<i32>} : memref<2x800x32xf32, #tpu.memory_space<vmem>>, vector<1x1x16xf32>,
        %get3A_378 = arith.constant 0 : i32
        %get3A_379 = arith.index_cast %get3A_378 : i32 to index
        %get3A_380 = arith.index_cast %add3A_363 : i32 to index
        %get3A_381 = arith.constant 16 : index
        %get3A_382 = tpu.vector_load %arg7[%get3A_379, %get3A_380, %get3A_381] {strides = array<i32>} : memref<2x800x32xf32, #tpu.memory_space<vmem>>, vector<1x1x16xf32>,
        %get3A_383 = vector.shape_cast %get3A_382 : vector<1x1x16xf32> to vector<16xf32>
        %add3A_384 = arith.addf %get3A_383, %get3A_271 : vector<16xf32>
        %swap3A_385 = arith.constant 0 : i32
        %swap3A_386 = arith.index_cast %swap3A_385 : i32 to index
        %swap3A_387 = arith.index_cast %add3A_363 : i32 to index
        %swap3A_388 = arith.constant 16 : index
        %swap3A_389 = tpu.vector_load %arg7[%swap3A_386, %swap3A_387, %swap3A_388] {strides = array<i32>} : memref<2x800x32xf32, #tpu.memory_space<vmem>>, vector<1x1x16xf32>,
        %swap3A_390 = vector.shape_cast %swap3A_389 : vector<1x1x16xf32> to vector<16xf32>
        %swap3A_391 = vector.shape_cast %add3A_384 : vector<16xf32> to vector<1x1x16xf32>
        tpu.vector_store %arg7[%swap3A_386, %swap3A_387, %swap3A_388], %swap3A_391 {strides = array<i32>} : memref<2x800x32xf32, #tpu.memory_space<vmem>>, vector<1x1x16xf32>,
      }
      %scan3A_70 = arith.constant 200 : i32
      %mul3A_71 = arith.constant 800 : i32
      %mul3A_72 = arith.muli %add3A_51, %mul3A_71 : i32
      %add3A_73 = arith.addi %mul3A_2, %mul3A_72 : i32
      %dma_start3A_74 = arith.constant 0 : i32
      %dma_start3A_75 = arith.constant 0 : i32
      %dma_start3A_76 = arith.constant 0 : i32
      %dma_start3A_77 = tpu.memref_slice %arg7[%dma_start3A_74, %dma_start3A_75, %dma_start3A_76] : memref<2x800x32xf32, #tpu.memory_space<vmem>> -> memref<1x800x32xf32, #tpu.memory_space<vmem>>
      %dma_start3A_78 = tpu.memref_squeeze %dma_start3A_77 : memref<1x800x32xf32, #tpu.memory_space<vmem>> -> memref<800x32xf32, #tpu.memory_space<vmem>>
      %dma_start3A_79 = arith.constant 0 : i32
      %dma_start3A_80 = tpu.memref_slice %arg5[%add3A_73, %dma_start3A_79] : memref<819200x32xf32, #tpu.memory_space<hbm>> -> memref<800x32xf32, #tpu.memory_space<hbm>>
      %dma_start3A_81 = arith.constant 0 : i32
      %dma_start3A_82 = tpu.memref_slice %arg5[%add3A_73, %dma_start3A_81] : memref<819200x32xf32, #tpu.memory_space<hbm>> -> memref<800x32xf32, #tpu.memory_space<hbm>>
      %dma_start3A_83 = arith.constant 0 : i32
      %dma_start3A_84 = arith.constant 0 : i32
      %dma_start3A_85 = tpu.memref_slice %arg7[%dma_start3A_74, %dma_start3A_83, %dma_start3A_84] : memref<2x800x32xf32, #tpu.memory_space<vmem>> -> memref<1x800x32xf32, #tpu.memory_space<vmem>>
      %dma_start3A_86 = tpu.memref_squeeze %dma_start3A_85 : memref<1x800x32xf32, #tpu.memory_space<vmem>> -> memref<800x32xf32, #tpu.memory_space<vmem>>
      tpu.enqueue_dma source(%dma_start3A_86 : memref<800x32xf32, #tpu.memory_space<vmem>>) target(%dma_start3A_82 : memref<800x32xf32, #tpu.memory_space<hbm>>) target_semaphore(%arg11 : memref<!tpu.dma_semaphore, #tpu.memory_space<semaphore_mem>>)
      %add3A_87 = arith.constant 1 : i32
      %add3A_88 = arith.addi %add3A_49, %add3A_87 : i32
      %add3A_89 = arith.constant 1 : i32
      %add3A_90 = arith.addi %add3A_88, %add3A_89 : i32
      %lt3A_91 = arith.constant 32 : i32
      %lt3A_92 = arith.cmpi slt, %add3A_90, %lt3A_91 : i32
      %convert_element_type3A_93 = arith.extui %lt3A_92 : i1 to i32
      %cond3A_94 = arith.constant 0 : i32
      %cond3A_95 = arith.cmpi ne, %convert_element_type3A_93, %cond3A_94 : i32
      scf.if %cond3A_95 {
        %ge3A = arith.constant 1 : i32
        %ge3A_127 = arith.cmpi sge, %add3A_88, %ge3A : i32
        %convert_element_type3A_128 = arith.extui %ge3A_127 : i1 to i32
        %cond3A_129 = arith.constant 0 : i32
        %cond3A_130 = arith.cmpi ne, %convert_element_type3A_128, %cond3A_129 : i32
        scf.if %cond3A_130 {
          %add3A_144 = arith.constant 0 : i32
          %add3A_145 = arith.addi %mul3A_2, %add3A_144 : i32
          %dma_wait3A_146 = arith.constant 0 : i32
          %dma_wait3A_147 = arith.constant 0 : i32
          %dma_wait3A_148 = arith.constant 0 : i32
          %dma_wait3A_149 = tpu.memref_slice %arg7[%dma_wait3A_146, %dma_wait3A_147, %dma_wait3A_148] : memref<2x800x32xf32, #tpu.memory_space<vmem>> -> memref<1x800x32xf32, #tpu.memory_space<vmem>>
          %dma_wait3A_150 = tpu.memref_squeeze %dma_wait3A_149 : memref<1x800x32xf32, #tpu.memory_space<vmem>> -> memref<800x32xf32, #tpu.memory_space<vmem>>
          %dma_wait3A_151 = arith.constant 0 : i32
          %dma_wait3A_152 = tpu.memref_slice %arg5[%add3A_145, %dma_wait3A_151] : memref<819200x32xf32, #tpu.memory_space<hbm>> -> memref<800x32xf32, #tpu.memory_space<hbm>>
          %dma_wait3A_153 = arith.constant 0 : i32
          %dma_wait3A_154 = tpu.memref_slice %arg5[%add3A_145, %dma_wait3A_153] : memref<819200x32xf32, #tpu.memory_space<hbm>> -> memref<800x32xf32, #tpu.memory_space<hbm>>
          %dma_wait3A_155 = arith.constant 0 : i32
          %dma_wait3A_156 = arith.constant 0 : i32
          %dma_wait3A_157 = tpu.memref_slice %arg7[%dma_wait3A_146, %dma_wait3A_155, %dma_wait3A_156] : memref<2x800x32xf32, #tpu.memory_space<vmem>> -> memref<1x800x32xf32, #tpu.memory_space<vmem>>
          %dma_wait3A_158 = tpu.memref_squeeze %dma_wait3A_157 : memref<1x800x32xf32, #tpu.memory_space<vmem>> -> memref<800x32xf32, #tpu.memory_space<vmem>>
          tpu.wait_dma2 semaphore(%arg11 : memref<!tpu.dma_semaphore, #tpu.memory_space<semaphore_mem>>) src(%dma_wait3A_158 : memref<800x32xf32, #tpu.memory_space<vmem>>) dst(%dma_wait3A_154 : memref<800x32xf32, #tpu.memory_space<hbm>>)
        } else {
        }
        %add3A_131 = arith.constant 1 : i32
        %add3A_132 = arith.addi %add3A_88, %add3A_131 : i32
        %mul3A_133 = arith.constant 800 : i32
        %mul3A_134 = arith.muli %add3A_132, %mul3A_133 : i32
        %dma_start3A_135 = arith.constant 0 : i32
        %dma_start3A_136 = arith.constant 0 : i32
        %dma_start3A_137 = arith.constant 0 : i32
        %dma_start3A_138 = tpu.memref_slice %arg7[%dma_start3A_135, %dma_start3A_136, %dma_start3A_137] : memref<2x800x32xf32, #tpu.memory_space<vmem>> -> memref<1x800x32xf32, #tpu.memory_space<vmem>>
        %dma_start3A_139 = tpu.memref_squeeze %dma_start3A_138 : memref<1x800x32xf32, #tpu.memory_space<vmem>> -> memref<800x32xf32, #tpu.memory_space<vmem>>
        %dma_start3A_140 = tpu.memref_slice %arg6[%mul3A_134] : memref<25600xi32, #tpu.memory_space<vmem>> -> memref<800xi32, #tpu.memory_space<vmem>>
        %dma_start3A_141 = arith.constant 0 : i32
        %dma_start3A_142 = arith.constant 0 : i32
        %dma_start3A_143 = tpu.memref_slice %arg3[%dma_start3A_141, %dma_start3A_142] : memref<1000000x32xf32, #tpu.memory_space<hbm>> -> memref<1000000x32xf32, #tpu.memory_space<hbm>>
        tpu.enqueue_indirect_dma source(%dma_start3A_143 : memref<1000000x32xf32, #tpu.memory_space<hbm>>) target(%dma_start3A_139 : memref<800x32xf32, #tpu.memory_space<vmem>>) offsets(%dma_start3A_140 : memref<800xi32, #tpu.memory_space<vmem>>) semaphore(%arg9 : memref<!tpu.dma_semaphore, #tpu.memory_space<semaphore_mem>>)
      } else {
      }
      %dma_wait3A_96 = arith.constant 1 : i32
      %dma_wait3A_97 = arith.constant 0 : i32
      %dma_wait3A_98 = arith.constant 0 : i32
      %dma_wait3A_99 = tpu.memref_slice %arg7[%dma_wait3A_96, %dma_wait3A_97, %dma_wait3A_98] : memref<2x800x32xf32, #tpu.memory_space<vmem>> -> memref<1x800x32xf32, #tpu.memory_space<vmem>>
      %dma_wait3A_100 = tpu.memref_squeeze %dma_wait3A_99 : memref<1x800x32xf32, #tpu.memory_space<vmem>> -> memref<800x32xf32, #tpu.memory_space<vmem>>
      %dma_wait3A_101 = arith.constant 0 : i32
      %dma_wait3A_102 = tpu.memref_slice %arg6[%dma_wait3A_101] : memref<25600xi32, #tpu.memory_space<vmem>> -> memref<800xi32, #tpu.memory_space<vmem>>
      %dma_wait3A_103 = arith.constant 0 : i32
      %dma_wait3A_104 = arith.constant 0 : i32
      %dma_wait3A_105 = tpu.memref_slice %arg3[%dma_wait3A_103, %dma_wait3A_104] : memref<1000000x32xf32, #tpu.memory_space<hbm>> -> memref<1000000x32xf32, #tpu.memory_space<hbm>>
      tpu.wait_indirect_dma semaphore(%arg10 : memref<!tpu.dma_semaphore, #tpu.memory_space<semaphore_mem>>) src(%dma_wait3A_105 : memref<1000000x32xf32, #tpu.memory_space<hbm>>) dst(%dma_wait3A_100 : memref<800x32xf32, #tpu.memory_space<vmem>>)
      %scan3A_106 = arith.constant 0 : i32
      %scan3A_107 = arith.constant 200 : i32
      %scan3A_108 = arith.addi %scan3A_106, %scan3A_107 : i32
      %scan3A_109 = arith.constant 2 : i32
      scf.for %scan3A_127 = %scan3A_106 to %scan3A_108 step %scan3A_109  : i32 {
        %mul3A_128 = arith.constant 1 : i32
        %mul3A_129 = arith.muli %scan3A_127, %mul3A_128 : i32
        %add3A_130 = arith.constant 0 : i32
        %add3A_131 = arith.addi %add3A_130, %mul3A_129 : i32
        %get3A = arith.index_cast %add3A_131 : i32 to index
        %get3A_132 = arith.constant 0 : index
        %get3A_133 = tpu.vector_load %arg8[%get3A, %get3A_132] {strides = array<i32>} : memref<200x32xf32, #tpu.memory_space<vmem>>, vector<1x16xf32>,
        %get3A_134 = vector.shape_cast %get3A_133 : vector<1x16xf32> to vector<16xf32>
        %get3A_135 = arith.index_cast %add3A_131 : i32 to index
        %get3A_136 = arith.constant 16 : index
        %get3A_137 = tpu.vector_load %arg8[%get3A_135, %get3A_136] {strides = array<i32>} : memref<200x32xf32, #tpu.memory_space<vmem>>, vector<1x16xf32>,
        %get3A_138 = vector.shape_cast %get3A_137 : vector<1x16xf32> to vector<16xf32>
        %add3A_139 = arith.constant 0 : i32
        %add3A_140 = arith.addi %add3A_139, %add3A_131 : i32
        %get3A_141 = arith.constant 1 : i32
        %get3A_142 = arith.index_cast %get3A_141 : i32 to index
        %get3A_143 = arith.index_cast %add3A_140 : i32 to index
        %get3A_144 = arith.constant 0 : index
        %get3A_145 = tpu.vector_load %arg7[%get3A_142, %get3A_143, %get3A_144] {strides = array<i32>} : memref<2x800x32xf32, #tpu.memory_space<vmem>>, vector<1x1x16xf32>,
        %get3A_146 = vector.shape_cast %get3A_145 : vector<1x1x16xf32> to vector<16xf32>
        %add3A_147 = arith.addf %get3A_146, %get3A_134 : vector<16xf32>
        %swap3A = arith.constant 1 : i32
        %swap3A_148 = arith.index_cast %swap3A : i32 to index
        %swap3A_149 = arith.index_cast %add3A_140 : i32 to index
        %swap3A_150 = arith.constant 0 : index
        %swap3A_151 = tpu.vector_load %arg7[%swap3A_148, %swap3A_149, %swap3A_150] {strides = array<i32>} : memref<2x800x32xf32, #tpu.memory_space<vmem>>, vector<1x1x16xf32>,
        %swap3A_152 = vector.shape_cast %swap3A_151 : vector<1x1x16xf32> to vector<16xf32>
        %swap3A_153 = vector.shape_cast %add3A_147 : vector<16xf32> to vector<1x1x16xf32>
        tpu.vector_store %arg7[%swap3A_148, %swap3A_149, %swap3A_150], %swap3A_153 {strides = array<i32>} : memref<2x800x32xf32, #tpu.memory_space<vmem>>, vector<1x1x16xf32>,
        %get3A_154 = arith.constant 1 : i32
        %get3A_155 = arith.index_cast %get3A_154 : i32 to index
        %get3A_156 = arith.index_cast %add3A_140 : i32 to index
        %get3A_157 = arith.constant 16 : index
        %get3A_158 = tpu.vector_load %arg7[%get3A_155, %get3A_156, %get3A_157] {strides = array<i32>} : memref<2x800x32xf32, #tpu.memory_space<vmem>>, vector<1x1x16xf32>,
        %get3A_159 = vector.shape_cast %get3A_158 : vector<1x1x16xf32> to vector<16xf32>
        %add3A_160 = arith.addf %get3A_159, %get3A_138 : vector<16xf32>
        %swap3A_161 = arith.constant 1 : i32
        %swap3A_162 = arith.index_cast %swap3A_161 : i32 to index
        %swap3A_163 = arith.index_cast %add3A_140 : i32 to index
        %swap3A_164 = arith.constant 16 : index
        %swap3A_165 = tpu.vector_load %arg7[%swap3A_162, %swap3A_163, %swap3A_164] {strides = array<i32>} : memref<2x800x32xf32, #tpu.memory_space<vmem>>, vector<1x1x16xf32>,
        %swap3A_166 = vector.shape_cast %swap3A_165 : vector<1x1x16xf32> to vector<16xf32>
        %swap3A_167 = vector.shape_cast %add3A_160 : vector<16xf32> to vector<1x1x16xf32>
        tpu.vector_store %arg7[%swap3A_162, %swap3A_163, %swap3A_164], %swap3A_167 {strides = array<i32>} : memref<2x800x32xf32, #tpu.memory_space<vmem>>, vector<1x1x16xf32>,
        %add3A_168 = arith.constant 200 : i32
        %add3A_169 = arith.addi %add3A_168, %add3A_131 : i32
        %get3A_170 = arith.constant 1 : i32
        %get3A_171 = arith.index_cast %get3A_170 : i32 to index
        %get3A_172 = arith.index_cast %add3A_169 : i32 to index
        %get3A_173 = arith.constant 0 : index
        %get3A_174 = tpu.vector_load %arg7[%get3A_171, %get3A_172, %get3A_173] {strides = array<i32>} : memref<2x800x32xf32, #tpu.memory_space<vmem>>, vector<1x1x16xf32>,
        %get3A_175 = vector.shape_cast %get3A_174 : vector<1x1x16xf32> to vector<16xf32>
        %add3A_176 = arith.addf %get3A_175, %get3A_134 : vector<16xf32>
        %swap3A_177 = arith.constant 1 : i32
        %swap3A_178 = arith.index_cast %swap3A_177 : i32 to index
        %swap3A_179 = arith.index_cast %add3A_169 : i32 to index
        %swap3A_180 = arith.constant 0 : index
        %swap3A_181 = tpu.vector_load %arg7[%swap3A_178, %swap3A_179, %swap3A_180] {strides = array<i32>} : memref<2x800x32xf32, #tpu.memory_space<vmem>>, vector<1x1x16xf32>,
        %swap3A_182 = vector.shape_cast %swap3A_181 : vector<1x1x16xf32> to vector<16xf32>
        %swap3A_183 = vector.shape_cast %add3A_176 : vector<16xf32> to vector<1x1x16xf32>
        tpu.vector_store %arg7[%swap3A_178, %swap3A_179, %swap3A_180], %swap3A_183 {strides = array<i32>} : memref<2x800x32xf32, #tpu.memory_space<vmem>>, vector<1x1x16xf32>,
        %get3A_184 = arith.constant 1 : i32
        %get3A_185 = arith.index_cast %get3A_184 : i32 to index
        %get3A_186 = arith.index_cast %add3A_169 : i32 to index
        %get3A_187 = arith.constant 16 : index
        %get3A_188 = tpu.vector_load %arg7[%get3A_185, %get3A_186, %get3A_187] {strides = array<i32>} : memref<2x800x32xf32, #tpu.memory_space<vmem>>, vector<1x1x16xf32>,
        %get3A_189 = vector.shape_cast %get3A_188 : vector<1x1x16xf32> to vector<16xf32>
        %add3A_190 = arith.addf %get3A_189, %get3A_138 : vector<16xf32>
        %swap3A_191 = arith.constant 1 : i32
        %swap3A_192 = arith.index_cast %swap3A_191 : i32 to index
        %swap3A_193 = arith.index_cast %add3A_169 : i32 to index
        %swap3A_194 = arith.constant 16 : index
        %swap3A_195 = tpu.vector_load %arg7[%swap3A_192, %swap3A_193, %swap3A_194] {strides = array<i32>} : memref<2x800x32xf32, #tpu.memory_space<vmem>>, vector<1x1x16xf32>,
        %swap3A_196 = vector.shape_cast %swap3A_195 : vector<1x1x16xf32> to vector<16xf32>
        %swap3A_197 = vector.shape_cast %add3A_190 : vector<16xf32> to vector<1x1x16xf32>
        tpu.vector_store %arg7[%swap3A_192, %swap3A_193, %swap3A_194], %swap3A_197 {strides = array<i32>} : memref<2x800x32xf32, #tpu.memory_space<vmem>>, vector<1x1x16xf32>,
        %add3A_198 = arith.constant 400 : i32
        %add3A_199 = arith.addi %add3A_198, %add3A_131 : i32
        %get3A_200 = arith.constant 1 : i32
        %get3A_201 = arith.index_cast %get3A_200 : i32 to index
        %get3A_202 = arith.index_cast %add3A_199 : i32 to index
        %get3A_203 = arith.constant 0 : index
        %get3A_204 = tpu.vector_load %arg7[%get3A_201, %get3A_202, %get3A_203] {strides = array<i32>} : memref<2x800x32xf32, #tpu.memory_space<vmem>>, vector<1x1x16xf32>,
        %get3A_205 = vector.shape_cast %get3A_204 : vector<1x1x16xf32> to vector<16xf32>
        %add3A_206 = arith.addf %get3A_205, %get3A_134 : vector<16xf32>
        %swap3A_207 = arith.constant 1 : i32
        %swap3A_208 = arith.index_cast %swap3A_207 : i32 to index
        %swap3A_209 = arith.index_cast %add3A_199 : i32 to index
        %swap3A_210 = arith.constant 0 : index
        %swap3A_211 = tpu.vector_load %arg7[%swap3A_208, %swap3A_209, %swap3A_210] {strides = array<i32>} : memref<2x800x32xf32, #tpu.memory_space<vmem>>, vector<1x1x16xf32>,
        %swap3A_212 = vector.shape_cast %swap3A_211 : vector<1x1x16xf32> to vector<16xf32>
        %swap3A_213 = vector.shape_cast %add3A_206 : vector<16xf32> to vector<1x1x16xf32>
        tpu.vector_store %arg7[%swap3A_208, %swap3A_209, %swap3A_210], %swap3A_213 {strides = array<i32>} : memref<2x800x32xf32, #tpu.memory_space<vmem>>, vector<1x1x16xf32>,
        %get3A_214 = arith.constant 1 : i32
        %get3A_215 = arith.index_cast %get3A_214 : i32 to index
        %get3A_216 = arith.index_cast %add3A_199 : i32 to index
        %get3A_217 = arith.constant 16 : index
        %get3A_218 = tpu.vector_load %arg7[%get3A_215, %get3A_216, %get3A_217] {strides = array<i32>} : memref<2x800x32xf32, #tpu.memory_space<vmem>>, vector<1x1x16xf32>,
        %get3A_219 = vector.shape_cast %get3A_218 : vector<1x1x16xf32> to vector<16xf32>
        %add3A_220 = arith.addf %get3A_219, %get3A_138 : vector<16xf32>
        %swap3A_221 = arith.constant 1 : i32
        %swap3A_222 = arith.index_cast %swap3A_221 : i32 to index
        %swap3A_223 = arith.index_cast %add3A_199 : i32 to index
        %swap3A_224 = arith.constant 16 : index
        %swap3A_225 = tpu.vector_load %arg7[%swap3A_222, %swap3A_223, %swap3A_224] {strides = array<i32>} : memref<2x800x32xf32, #tpu.memory_space<vmem>>, vector<1x1x16xf32>,
        %swap3A_226 = vector.shape_cast %swap3A_225 : vector<1x1x16xf32> to vector<16xf32>
        %swap3A_227 = vector.shape_cast %add3A_220 : vector<16xf32> to vector<1x1x16xf32>
        tpu.vector_store %arg7[%swap3A_222, %swap3A_223, %swap3A_224], %swap3A_227 {strides = array<i32>} : memref<2x800x32xf32, #tpu.memory_space<vmem>>, vector<1x1x16xf32>,
        %add3A_228 = arith.constant 600 : i32
        %add3A_229 = arith.addi %add3A_228, %add3A_131 : i32
        %get3A_230 = arith.constant 1 : i32
        %get3A_231 = arith.index_cast %get3A_230 : i32 to index
        %get3A_232 = arith.index_cast %add3A_229 : i32 to index
        %get3A_233 = arith.constant 0 : index
        %get3A_234 = tpu.vector_load %arg7[%get3A_231, %get3A_232, %get3A_233] {strides = array<i32>} : memref<2x800x32xf32, #tpu.memory_space<vmem>>, vector<1x1x16xf32>,
        %get3A_235 = vector.shape_cast %get3A_234 : vector<1x1x16xf32> to vector<16xf32>
        %add3A_236 = arith.addf %get3A_235, %get3A_134 : vector<16xf32>
        %swap3A_237 = arith.constant 1 : i32
        %swap3A_238 = arith.index_cast %swap3A_237 : i32 to index
        %swap3A_239 = arith.index_cast %add3A_229 : i32 to index
        %swap3A_240 = arith.constant 0 : index
        %swap3A_241 = tpu.vector_load %arg7[%swap3A_238, %swap3A_239, %swap3A_240] {strides = array<i32>} : memref<2x800x32xf32, #tpu.memory_space<vmem>>, vector<1x1x16xf32>,
        %swap3A_242 = vector.shape_cast %swap3A_241 : vector<1x1x16xf32> to vector<16xf32>
        %swap3A_243 = vector.shape_cast %add3A_236 : vector<16xf32> to vector<1x1x16xf32>
        tpu.vector_store %arg7[%swap3A_238, %swap3A_239, %swap3A_240], %swap3A_243 {strides = array<i32>} : memref<2x800x32xf32, #tpu.memory_space<vmem>>, vector<1x1x16xf32>,
        %get3A_244 = arith.constant 1 : i32
        %get3A_245 = arith.index_cast %get3A_244 : i32 to index
        %get3A_246 = arith.index_cast %add3A_229 : i32 to index
        %get3A_247 = arith.constant 16 : index
        %get3A_248 = tpu.vector_load %arg7[%get3A_245, %get3A_246, %get3A_247] {strides = array<i32>} : memref<2x800x32xf32, #tpu.memory_space<vmem>>, vector<1x1x16xf32>,
        %get3A_249 = vector.shape_cast %get3A_248 : vector<1x1x16xf32> to vector<16xf32>
        %add3A_250 = arith.addf %get3A_249, %get3A_138 : vector<16xf32>
        %swap3A_251 = arith.constant 1 : i32
        %swap3A_252 = arith.index_cast %swap3A_251 : i32 to index
        %swap3A_253 = arith.index_cast %add3A_229 : i32 to index
        %swap3A_254 = arith.constant 16 : index
        %swap3A_255 = tpu.vector_load %arg7[%swap3A_252, %swap3A_253, %swap3A_254] {strides = array<i32>} : memref<2x800x32xf32, #tpu.memory_space<vmem>>, vector<1x1x16xf32>,
        %swap3A_256 = vector.shape_cast %swap3A_255 : vector<1x1x16xf32> to vector<16xf32>
        %swap3A_257 = vector.shape_cast %add3A_250 : vector<16xf32> to vector<1x1x16xf32>
        tpu.vector_store %arg7[%swap3A_252, %swap3A_253, %swap3A_254], %swap3A_257 {strides = array<i32>} : memref<2x800x32xf32, #tpu.memory_space<vmem>>, vector<1x1x16xf32>,
        %scan3A_258 = arith.constant 1 : i32
        %scan3A_259 = arith.addi %scan3A_127, %scan3A_258 : i32
        %mul3A_260 = arith.constant 1 : i32
        %mul3A_261 = arith.muli %scan3A_259, %mul3A_260 : i32
        %add3A_262 = arith.constant 0 : i32
        %add3A_263 = arith.addi %add3A_262, %mul3A_261 : i32
        %get3A_264 = arith.index_cast %add3A_263 : i32 to index
        %get3A_265 = arith.constant 0 : index
        %get3A_266 = tpu.vector_load %arg8[%get3A_264, %get3A_265] {strides = array<i32>} : memref<200x32xf32, #tpu.memory_space<vmem>>, vector<1x16xf32>,
        %get3A_267 = vector.shape_cast %get3A_266 : vector<1x16xf32> to vector<16xf32>
        %get3A_268 = arith.index_cast %add3A_263 : i32 to index
        %get3A_269 = arith.constant 16 : index
        %get3A_270 = tpu.vector_load %arg8[%get3A_268, %get3A_269] {strides = array<i32>} : memref<200x32xf32, #tpu.memory_space<vmem>>, vector<1x16xf32>,
        %get3A_271 = vector.shape_cast %get3A_270 : vector<1x16xf32> to vector<16xf32>
        %add3A_272 = arith.constant 0 : i32
        %add3A_273 = arith.addi %add3A_272, %add3A_263 : i32
        %get3A_274 = arith.constant 1 : i32
        %get3A_275 = arith.index_cast %get3A_274 : i32 to index
        %get3A_276 = arith.index_cast %add3A_273 : i32 to index
        %get3A_277 = arith.constant 0 : index
        %get3A_278 = tpu.vector_load %arg7[%get3A_275, %get3A_276, %get3A_277] {strides = array<i32>} : memref<2x800x32xf32, #tpu.memory_space<vmem>>, vector<1x1x16xf32>,
        %get3A_279 = vector.shape_cast %get3A_278 : vector<1x1x16xf32> to vector<16xf32>
        %add3A_280 = arith.addf %get3A_279, %get3A_267 : vector<16xf32>
        %swap3A_281 = arith.constant 1 : i32
        %swap3A_282 = arith.index_cast %swap3A_281 : i32 to index
        %swap3A_283 = arith.index_cast %add3A_273 : i32 to index
        %swap3A_284 = arith.constant 0 : index
        %swap3A_285 = tpu.vector_load %arg7[%swap3A_282, %swap3A_283, %swap3A_284] {strides = array<i32>} : memref<2x800x32xf32, #tpu.memory_space<vmem>>, vector<1x1x16xf32>,
        %swap3A_286 = vector.shape_cast %swap3A_285 : vector<1x1x16xf32> to vector<16xf32>
        %swap3A_287 = vector.shape_cast %add3A_280 : vector<16xf32> to vector<1x1x16xf32>
        tpu.vector_store %arg7[%swap3A_282, %swap3A_283, %swap3A_284], %swap3A_287 {strides = array<i32>} : memref<2x800x32xf32, #tpu.memory_space<vmem>>, vector<1x1x16xf32>,
        %get3A_288 = arith.constant 1 : i32
        %get3A_289 = arith.index_cast %get3A_288 : i32 to index
        %get3A_290 = arith.index_cast %add3A_273 : i32 to index
        %get3A_291 = arith.constant 16 : index
        %get3A_292 = tpu.vector_load %arg7[%get3A_289, %get3A_290, %get3A_291] {strides = array<i32>} : memref<2x800x32xf32, #tpu.memory_space<vmem>>, vector<1x1x16xf32>,
        %get3A_293 = vector.shape_cast %get3A_292 : vector<1x1x16xf32> to vector<16xf32>
        %add3A_294 = arith.addf %get3A_293, %get3A_271 : vector<16xf32>
        %swap3A_295 = arith.constant 1 : i32
        %swap3A_296 = arith.index_cast %swap3A_295 : i32 to index
        %swap3A_297 = arith.index_cast %add3A_273 : i32 to index
        %swap3A_298 = arith.constant 16 : index
        %swap3A_299 = tpu.vector_load %arg7[%swap3A_296, %swap3A_297, %swap3A_298] {strides = array<i32>} : memref<2x800x32xf32, #tpu.memory_space<vmem>>, vector<1x1x16xf32>,
        %swap3A_300 = vector.shape_cast %swap3A_299 : vector<1x1x16xf32> to vector<16xf32>
        %swap3A_301 = vector.shape_cast %add3A_294 : vector<16xf32> to vector<1x1x16xf32>
        tpu.vector_store %arg7[%swap3A_296, %swap3A_297, %swap3A_298], %swap3A_301 {strides = array<i32>} : memref<2x800x32xf32, #tpu.memory_space<vmem>>, vector<1x1x16xf32>,
        %add3A_302 = arith.constant 200 : i32
        %add3A_303 = arith.addi %add3A_302, %add3A_263 : i32
        %get3A_304 = arith.constant 1 : i32
        %get3A_305 = arith.index_cast %get3A_304 : i32 to index
        %get3A_306 = arith.index_cast %add3A_303 : i32 to index
        %get3A_307 = arith.constant 0 : index
        %get3A_308 = tpu.vector_load %arg7[%get3A_305, %get3A_306, %get3A_307] {strides = array<i32>} : memref<2x800x32xf32, #tpu.memory_space<vmem>>, vector<1x1x16xf32>,
        %get3A_309 = vector.shape_cast %get3A_308 : vector<1x1x16xf32> to vector<16xf32>
        %add3A_310 = arith.addf %get3A_309, %get3A_267 : vector<16xf32>
        %swap3A_311 = arith.constant 1 : i32
        %swap3A_312 = arith.index_cast %swap3A_311 : i32 to index
        %swap3A_313 = arith.index_cast %add3A_303 : i32 to index
        %swap3A_314 = arith.constant 0 : index
        %swap3A_315 = tpu.vector_load %arg7[%swap3A_312, %swap3A_313, %swap3A_314] {strides = array<i32>} : memref<2x800x32xf32, #tpu.memory_space<vmem>>, vector<1x1x16xf32>,
        %swap3A_316 = vector.shape_cast %swap3A_315 : vector<1x1x16xf32> to vector<16xf32>
        %swap3A_317 = vector.shape_cast %add3A_310 : vector<16xf32> to vector<1x1x16xf32>
        tpu.vector_store %arg7[%swap3A_312, %swap3A_313, %swap3A_314], %swap3A_317 {strides = array<i32>} : memref<2x800x32xf32, #tpu.memory_space<vmem>>, vector<1x1x16xf32>,
        %get3A_318 = arith.constant 1 : i32
        %get3A_319 = arith.index_cast %get3A_318 : i32 to index
        %get3A_320 = arith.index_cast %add3A_303 : i32 to index
        %get3A_321 = arith.constant 16 : index
        %get3A_322 = tpu.vector_load %arg7[%get3A_319, %get3A_320, %get3A_321] {strides = array<i32>} : memref<2x800x32xf32, #tpu.memory_space<vmem>>, vector<1x1x16xf32>,
        %get3A_323 = vector.shape_cast %get3A_322 : vector<1x1x16xf32> to vector<16xf32>
        %add3A_324 = arith.addf %get3A_323, %get3A_271 : vector<16xf32>
        %swap3A_325 = arith.constant 1 : i32
        %swap3A_326 = arith.index_cast %swap3A_325 : i32 to index
        %swap3A_327 = arith.index_cast %add3A_303 : i32 to index
        %swap3A_328 = arith.constant 16 : index
        %swap3A_329 = tpu.vector_load %arg7[%swap3A_326, %swap3A_327, %swap3A_328] {strides = array<i32>} : memref<2x800x32xf32, #tpu.memory_space<vmem>>, vector<1x1x16xf32>,
        %swap3A_330 = vector.shape_cast %swap3A_329 : vector<1x1x16xf32> to vector<16xf32>
        %swap3A_331 = vector.shape_cast %add3A_324 : vector<16xf32> to vector<1x1x16xf32>
        tpu.vector_store %arg7[%swap3A_326, %swap3A_327, %swap3A_328], %swap3A_331 {strides = array<i32>} : memref<2x800x32xf32, #tpu.memory_space<vmem>>, vector<1x1x16xf32>,
        %add3A_332 = arith.constant 400 : i32
        %add3A_333 = arith.addi %add3A_332, %add3A_263 : i32
        %get3A_334 = arith.constant 1 : i32
        %get3A_335 = arith.index_cast %get3A_334 : i32 to index
        %get3A_336 = arith.index_cast %add3A_333 : i32 to index
        %get3A_337 = arith.constant 0 : index
        %get3A_338 = tpu.vector_load %arg7[%get3A_335, %get3A_336, %get3A_337] {strides = array<i32>} : memref<2x800x32xf32, #tpu.memory_space<vmem>>, vector<1x1x16xf32>,
        %get3A_339 = vector.shape_cast %get3A_338 : vector<1x1x16xf32> to vector<16xf32>
        %add3A_340 = arith.addf %get3A_339, %get3A_267 : vector<16xf32>
        %swap3A_341 = arith.constant 1 : i32
        %swap3A_342 = arith.index_cast %swap3A_341 : i32 to index
        %swap3A_343 = arith.index_cast %add3A_333 : i32 to index
        %swap3A_344 = arith.constant 0 : index
        %swap3A_345 = tpu.vector_load %arg7[%swap3A_342, %swap3A_343, %swap3A_344] {strides = array<i32>} : memref<2x800x32xf32, #tpu.memory_space<vmem>>, vector<1x1x16xf32>,
        %swap3A_346 = vector.shape_cast %swap3A_345 : vector<1x1x16xf32> to vector<16xf32>
        %swap3A_347 = vector.shape_cast %add3A_340 : vector<16xf32> to vector<1x1x16xf32>
        tpu.vector_store %arg7[%swap3A_342, %swap3A_343, %swap3A_344], %swap3A_347 {strides = array<i32>} : memref<2x800x32xf32, #tpu.memory_space<vmem>>, vector<1x1x16xf32>,
        %get3A_348 = arith.constant 1 : i32
        %get3A_349 = arith.index_cast %get3A_348 : i32 to index
        %get3A_350 = arith.index_cast %add3A_333 : i32 to index
        %get3A_351 = arith.constant 16 : index
        %get3A_352 = tpu.vector_load %arg7[%get3A_349, %get3A_350, %get3A_351] {strides = array<i32>} : memref<2x800x32xf32, #tpu.memory_space<vmem>>, vector<1x1x16xf32>,
        %get3A_353 = vector.shape_cast %get3A_352 : vector<1x1x16xf32> to vector<16xf32>
        %add3A_354 = arith.addf %get3A_353, %get3A_271 : vector<16xf32>
        %swap3A_355 = arith.constant 1 : i32
        %swap3A_356 = arith.index_cast %swap3A_355 : i32 to index
        %swap3A_357 = arith.index_cast %add3A_333 : i32 to index
        %swap3A_358 = arith.constant 16 : index
        %swap3A_359 = tpu.vector_load %arg7[%swap3A_356, %swap3A_357, %swap3A_358] {strides = array<i32>} : memref<2x800x32xf32, #tpu.memory_space<vmem>>, vector<1x1x16xf32>,
        %swap3A_360 = vector.shape_cast %swap3A_359 : vector<1x1x16xf32> to vector<16xf32>
        %swap3A_361 = vector.shape_cast %add3A_354 : vector<16xf32> to vector<1x1x16xf32>
        tpu.vector_store %arg7[%swap3A_356, %swap3A_357, %swap3A_358], %swap3A_361 {strides = array<i32>} : memref<2x800x32xf32, #tpu.memory_space<vmem>>, vector<1x1x16xf32>,
        %add3A_362 = arith.constant 600 : i32
        %add3A_363 = arith.addi %add3A_362, %add3A_263 : i32
        %get3A_364 = arith.constant 1 : i32
        %get3A_365 = arith.index_cast %get3A_364 : i32 to index
        %get3A_366 = arith.index_cast %add3A_363 : i32 to index
        %get3A_367 = arith.constant 0 : index
        %get3A_368 = tpu.vector_load %arg7[%get3A_365, %get3A_366, %get3A_367] {strides = array<i32>} : memref<2x800x32xf32, #tpu.memory_space<vmem>>, vector<1x1x16xf32>,
        %get3A_369 = vector.shape_cast %get3A_368 : vector<1x1x16xf32> to vector<16xf32>
        %add3A_370 = arith.addf %get3A_369, %get3A_267 : vector<16xf32>
        %swap3A_371 = arith.constant 1 : i32
        %swap3A_372 = arith.index_cast %swap3A_371 : i32 to index
        %swap3A_373 = arith.index_cast %add3A_363 : i32 to index
        %swap3A_374 = arith.constant 0 : index
        %swap3A_375 = tpu.vector_load %arg7[%swap3A_372, %swap3A_373, %swap3A_374] {strides = array<i32>} : memref<2x800x32xf32, #tpu.memory_space<vmem>>, vector<1x1x16xf32>,
        %swap3A_376 = vector.shape_cast %swap3A_375 : vector<1x1x16xf32> to vector<16xf32>
        %swap3A_377 = vector.shape_cast %add3A_370 : vector<16xf32> to vector<1x1x16xf32>
        tpu.vector_store %arg7[%swap3A_372, %swap3A_373, %swap3A_374], %swap3A_377 {strides = array<i32>} : memref<2x800x32xf32, #tpu.memory_space<vmem>>, vector<1x1x16xf32>,
        %get3A_378 = arith.constant 1 : i32
        %get3A_379 = arith.index_cast %get3A_378 : i32 to index
        %get3A_380 = arith.index_cast %add3A_363 : i32 to index
        %get3A_381 = arith.constant 16 : index
        %get3A_382 = tpu.vector_load %arg7[%get3A_379, %get3A_380, %get3A_381] {strides = array<i32>} : memref<2x800x32xf32, #tpu.memory_space<vmem>>, vector<1x1x16xf32>,
        %get3A_383 = vector.shape_cast %get3A_382 : vector<1x1x16xf32> to vector<16xf32>
        %add3A_384 = arith.addf %get3A_383, %get3A_271 : vector<16xf32>
        %swap3A_385 = arith.constant 1 : i32
        %swap3A_386 = arith.index_cast %swap3A_385 : i32 to index
        %swap3A_387 = arith.index_cast %add3A_363 : i32 to index
        %swap3A_388 = arith.constant 16 : index
        %swap3A_389 = tpu.vector_load %arg7[%swap3A_386, %swap3A_387, %swap3A_388] {strides = array<i32>} : memref<2x800x32xf32, #tpu.memory_space<vmem>>, vector<1x1x16xf32>,
        %swap3A_390 = vector.shape_cast %swap3A_389 : vector<1x1x16xf32> to vector<16xf32>
        %swap3A_391 = vector.shape_cast %add3A_384 : vector<16xf32> to vector<1x1x16xf32>
        tpu.vector_store %arg7[%swap3A_386, %swap3A_387, %swap3A_388], %swap3A_391 {strides = array<i32>} : memref<2x800x32xf32, #tpu.memory_space<vmem>>, vector<1x1x16xf32>,
      }
      %scan3A_110 = arith.constant 200 : i32
      %mul3A_111 = arith.constant 800 : i32
      %mul3A_112 = arith.muli %add3A_88, %mul3A_111 : i32
      %add3A_113 = arith.addi %mul3A_2, %mul3A_112 : i32
      %dma_start3A_114 = arith.constant 1 : i32
      %dma_start3A_115 = arith.constant 0 : i32
      %dma_start3A_116 = arith.constant 0 : i32
      %dma_start3A_117 = tpu.memref_slice %arg7[%dma_start3A_114, %dma_start3A_115, %dma_start3A_116] : memref<2x800x32xf32, #tpu.memory_space<vmem>> -> memref<1x800x32xf32, #tpu.memory_space<vmem>>
      %dma_start3A_118 = tpu.memref_squeeze %dma_start3A_117 : memref<1x800x32xf32, #tpu.memory_space<vmem>> -> memref<800x32xf32, #tpu.memory_space<vmem>>
      %dma_start3A_119 = arith.constant 0 : i32
      %dma_start3A_120 = tpu.memref_slice %arg5[%add3A_113, %dma_start3A_119] : memref<819200x32xf32, #tpu.memory_space<hbm>> -> memref<800x32xf32, #tpu.memory_space<hbm>>
      %dma_start3A_121 = arith.constant 0 : i32
      %dma_start3A_122 = tpu.memref_slice %arg5[%add3A_113, %dma_start3A_121] : memref<819200x32xf32, #tpu.memory_space<hbm>> -> memref<800x32xf32, #tpu.memory_space<hbm>>
      %dma_start3A_123 = arith.constant 0 : i32
      %dma_start3A_124 = arith.constant 0 : i32
      %dma_start3A_125 = tpu.memref_slice %arg7[%dma_start3A_114, %dma_start3A_123, %dma_start3A_124] : memref<2x800x32xf32, #tpu.memory_space<vmem>> -> memref<1x800x32xf32, #tpu.memory_space<vmem>>
      %dma_start3A_126 = tpu.memref_squeeze %dma_start3A_125 : memref<1x800x32xf32, #tpu.memory_space<vmem>> -> memref<800x32xf32, #tpu.memory_space<vmem>>
      tpu.enqueue_dma source(%dma_start3A_126 : memref<800x32xf32, #tpu.memory_space<vmem>>) target(%dma_start3A_122 : memref<800x32xf32, #tpu.memory_space<hbm>>) target_semaphore(%arg12 : memref<!tpu.dma_semaphore, #tpu.memory_space<semaphore_mem>>)
    }
    %scan3A_15 = arith.constant 16 : i32
    %add3A_16 = arith.constant 0 : i32
    %add3A_17 = arith.addi %mul3A_2, %add3A_16 : i32
    %dma_wait3A = arith.constant 0 : i32
    %dma_wait3A_18 = arith.constant 0 : i32
    %dma_wait3A_19 = arith.constant 0 : i32
    %dma_wait3A_20 = tpu.memref_slice %arg7[%dma_wait3A, %dma_wait3A_18, %dma_wait3A_19] : memref<2x800x32xf32, #tpu.memory_space<vmem>> -> memref<1x800x32xf32, #tpu.memory_space<vmem>>
    %dma_wait3A_21 = tpu.memref_squeeze %dma_wait3A_20 : memref<1x800x32xf32, #tpu.memory_space<vmem>> -> memref<800x32xf32, #tpu.memory_space<vmem>>
    %dma_wait3A_22 = arith.constant 0 : i32
    %dma_wait3A_23 = tpu.memref_slice %arg5[%add3A_17, %dma_wait3A_22] : memref<819200x32xf32, #tpu.memory_space<hbm>> -> memref<800x32xf32, #tpu.memory_space<hbm>>
    %dma_wait3A_24 = arith.constant 0 : i32
    %dma_wait3A_25 = tpu.memref_slice %arg5[%add3A_17, %dma_wait3A_24] : memref<819200x32xf32, #tpu.memory_space<hbm>> -> memref<800x32xf32, #tpu.memory_space<hbm>>
    %dma_wait3A_26 = arith.constant 0 : i32
    %dma_wait3A_27 = arith.constant 0 : i32
    %dma_wait3A_28 = tpu.memref_slice %arg7[%dma_wait3A, %dma_wait3A_26, %dma_wait3A_27] : memref<2x800x32xf32, #tpu.memory_space<vmem>> -> memref<1x800x32xf32, #tpu.memory_space<vmem>>
    %dma_wait3A_29 = tpu.memref_squeeze %dma_wait3A_28 : memref<1x800x32xf32, #tpu.memory_space<vmem>> -> memref<800x32xf32, #tpu.memory_space<vmem>>
    tpu.wait_dma2 semaphore(%arg11 : memref<!tpu.dma_semaphore, #tpu.memory_space<semaphore_mem>>) src(%dma_wait3A_29 : memref<800x32xf32, #tpu.memory_space<vmem>>) dst(%dma_wait3A_25 : memref<800x32xf32, #tpu.memory_space<hbm>>)
    %add3A_30 = arith.constant 0 : i32
    %add3A_31 = arith.addi %mul3A_2, %add3A_30 : i32
    %dma_wait3A_32 = arith.constant 1 : i32
    %dma_wait3A_33 = arith.constant 0 : i32
    %dma_wait3A_34 = arith.constant 0 : i32
    %dma_wait3A_35 = tpu.memref_slice %arg7[%dma_wait3A_32, %dma_wait3A_33, %dma_wait3A_34] : memref<2x800x32xf32, #tpu.memory_space<vmem>> -> memref<1x800x32xf32, #tpu.memory_space<vmem>>
    %dma_wait3A_36 = tpu.memref_squeeze %dma_wait3A_35 : memref<1x800x32xf32, #tpu.memory_space<vmem>> -> memref<800x32xf32, #tpu.memory_space<vmem>>
    %dma_wait3A_37 = arith.constant 0 : i32
    %dma_wait3A_38 = tpu.memref_slice %arg5[%add3A_31, %dma_wait3A_37] : memref<819200x32xf32, #tpu.memory_space<hbm>> -> memref<800x32xf32, #tpu.memory_space<hbm>>
    %dma_wait3A_39 = arith.constant 0 : i32
    %dma_wait3A_40 = tpu.memref_slice %arg5[%add3A_31, %dma_wait3A_39] : memref<819200x32xf32, #tpu.memory_space<hbm>> -> memref<800x32xf32, #tpu.memory_space<hbm>>
    %dma_wait3A_41 = arith.constant 0 : i32
    %dma_wait3A_42 = arith.constant 0 : i32
    %dma_wait3A_43 = tpu.memref_slice %arg7[%dma_wait3A_32, %dma_wait3A_41, %dma_wait3A_42] : memref<2x800x32xf32, #tpu.memory_space<vmem>> -> memref<1x800x32xf32, #tpu.memory_space<vmem>>
    %dma_wait3A_44 = tpu.memref_squeeze %dma_wait3A_43 : memref<1x800x32xf32, #tpu.memory_space<vmem>> -> memref<800x32xf32, #tpu.memory_space<vmem>>
    tpu.wait_dma2 semaphore(%arg12 : memref<!tpu.dma_semaphore, #tpu.memory_space<semaphore_mem>>) src(%dma_wait3A_44 : memref<800x32xf32, #tpu.memory_space<vmem>>) dst(%dma_wait3A_40 : memref<800x32xf32, #tpu.memory_space<hbm>>)
    return
  }
}

</mosaic_0001>

<sc_bundles>
// kernel: kernel.3.cloned.1.call-start
scs
__scs_entry_jumppad:
0x0: {  	(pc) =	sbr.rel $0x88, $3  }
0x1: {  	(tag) =	ssettag $0x0;
	lr =	simm.s32 $0x1  }
0x2: {  	[smem:$0x3F9E] =	sst lr;
	_ =	strace $0xD0000000  }
0x3: {  	_ = 	snop  }
0x4: {  	_ = 	snop  }
0x5: {  	_ = 	snop  }
0x6: {  	_ = 	snop  }
0x7: {  	_ = 	snop  }
__scs_overlays_trampoline_lowered:
0x8: {  	[smem:$0x3FAD] =	sst s0  }
0x9: {  	[smem:$0x3FAE] =	sst s1  }
0xa: {  	[smem:$0x3FAF] =	sst s2  }
0xb: {  	[smem:$0x3FB0] =	sst s3  }
0xc: {  	[smem:$0x3FB1] =	sst s4  }
0xd: {  	[smem:$0x3FB2] =	sst s5  }
0xe: {  	[smem:$0x3FB3] =	sst s6  }
0xf: {  	[smem:$0x3FB4] =	sst s7  }
0x10: {  	[smem:$0x3FB5] =	sst s8  }
0x11: {  	[smem:$0x3FB6] =	sst s9;
	s0 =	simm.s32 @!p0 $0x0  }
0x12: {  	s1 =	sld [smem:$0x3F9C];
	s0 =	simm.s32 @p0 $0x1  }
0x13: {  	[smem:$0x3FB7] =	sst s0;
	s0 =	simm.s32 @!p1 $0x0  }
0x14: {  	s2 =	sld [smem:$0x3F9B];
	s0 =	simm.s32 @p1 $0x1  }
0x15: {  	[smem:$0x3FB8] =	sst s0;
	s0 =	simm.s32 @!p2 $0x0  }
0x16: {  	s3 =	sld [smem:$0x3FDB];
	s0 =	simm.s32 @p2 $0x1  }
0x17: {  	s4 =	simm.s32 $0x1BF5;
	[smem:$0x3FBA] =	sst s0  }
0x18: {  	s0 =	sld [smem:$0x3F9D];
	_ =	swait.ge [sflag:s4], $0x0  }
0x19: {  	s7 =	sld [smem:$0x3F9E]  }
0x1a: {  	s8 =	sadd.s32 $0xFFFFE003, lr  }
0x1b: {  	s9 =	sadd.s32 $0xFFFFFEF7, lr;
	s5 =	simm.s32 $0xFFFFFFFF;
	p2 =	slt.u32 s8, $0xFFFFF086  }
0x1c: {  	p1 =	slt.u32 s9, $0xF7A;
	s5 =	simm.s32 @!p2 $0x0  }
0x1d: {  	s5 =	simm.s32 @p1 $0x1;
	p0 =	seq.s32 s7, s2  }
0x1e: {  	s7 =	smul.u32 @!p0 $0xF7A, s2;
	p2 =	seq.s32 @!p0 s5, $0x0  }
0x1f: {  	s9 =	smul.u32 $0xF7A, s1;
	s8 =	simm.s32 @!p0 $0x1BF5;
	p2 =	por !p2, p0  }
0x20: {  	[sflag:s8] =	ssyncset.s32 @!p0 $0xFFFFF086;
	s6 =	sadd.s32 @!p0 s3, s7;
	s7 =	simm.s32 @!p0 $0x108  }
0x21: {  	s3 =	sadd.s32 s3, s9;
	s6 =	sadd.s32 @!p0 $0x88, s6;
	s7 =	simm.s32 @p2 $0x1082  }
0x22: {  	[simem:s7], [sflag:s8] =	dma.local @!p0 [hbm:s6], $0xF7A  }
0x23: {  	s9 =	sor.u32 $0xD0000000, s2;
	s6 =	simm.s32 $0x108;
	_ =	swait.ge @!p0 [sflag:s8], $0x0  }
0x24: {  	s3 =	sadd.s32 $0x88, s3;
	s6 =	simm.s32 @!p1 $0x1082;
	[sflag:s4] =	ssyncset.s32 $0xFFFFF086  }
0x25: {  	[simem:s6], [sflag:s4] =	dma.local [hbm:s3], $0xF7A  }
0x26: {  	[smem:$0x3F9E] =	sst s1;
	(tag) =	ssettag s2;
	_ =	strace s9  }
0x27: {  	s1 =	sld [smem:$0x3FAE]  }
0x28: {  	s2 =	sld [smem:$0x3FAF]  }
0x29: {  	s4 =	sld [smem:$0x3FB1]  }
0x2a: {  	p0 =	seq.s32 s5, $0x0;
	s5 =	sld [smem:$0x3FB2]  }
0x2b: {  	s6 =	sld [smem:$0x3FB3]  }
0x2c: {  	s7 =	sld [smem:$0x3FB4]  }
0x2d: {  	s3 =	simm.s32 $0x108;
	s8 =	sld [smem:$0x3FB5]  }
0x2e: {  	s3 =	simm.s32 @!p0 $0x1082;
	s9 =	sld [smem:$0x3FB6]  }
0x2f: {  	lr =	sadd.s32 s0, s3;
	s0 =	sld [smem:$0x3FAD]  }
0x30: {  	s3 =	sld [smem:$0x3FB0]  }
0x31: {  	[smem:$0x3FB9] =	sst s10  }
0x32: {  	s10 =	sld [smem:$0x3FB7];
	_ =	sdelay $0x3  }
0x33: {  	p0 =	seq.s32 s10, $0x1;
	s10 =	sld [smem:$0x3FB9];
	_ =	sdelay $0x3  }
0x34: {  	[smem:$0x3FB9] =	sst s10  }
0x35: {  	s10 =	sld [smem:$0x3FB8];
	_ =	sdelay $0x3  }
0x36: {  	p1 =	seq.s32 s10, $0x1;
	s10 =	sld [smem:$0x3FB9];
	_ =	sdelay $0x3  }
0x37: {  	[smem:$0x3FB9] =	sst s10  }
0x38: {  	s10 =	sld [smem:$0x3FBA]  }
0x39: {  	_ = 	snop;
	(pc) =	sbr.ind lr, $3  }
0x3a: {  	_ = 	snop  }
0x3b: {  	_ = 	snop  }
0x3c: {  	p2 =	seq.s32 s10, $0x1;
	s10 =	sld [smem:$0x3FB9]  }
0x3d: {  	_ =	shalt  }
0x3e: {  	_ =	shalt  }
0x3f: {  	_ =	shalt  }
0x40: {  	_ =	shalt  }
0x41: {  	_ =	shalt  }
0x42: {  	_ =	shalt  }
0x43: {  	_ =	shalt  }
0x44: {  	_ =	shalt  }
0x45: {  	_ =	shalt  }
0x46: {  	_ =	shalt  }
0x47: {  	_ =	shalt  }
0x48: {  	_ =	shalt  }
0x49: {  	_ =	shalt  }
0x4a: {  	_ =	shalt  }
0x4b: {  	_ =	shalt  }
0x4c: {  	_ =	shalt  }
0x4d: {  	_ =	shalt  }
0x4e: {  	_ =	shalt  }
0x4f: {  	_ =	shalt  }
0x50: {  	_ =	shalt  }
0x51: {  	_ =	shalt  }
0x52: {  	_ =	shalt  }
0x53: {  	_ =	shalt  }
0x54: {  	_ =	shalt  }
0x55: {  	_ =	shalt  }
0x56: {  	_ =	shalt  }
0x57: {  	_ =	shalt  }
0x58: {  	_ =	shalt  }
0x59: {  	_ =	shalt  }
0x5a: {  	_ =	shalt  }
0x5b: {  	_ =	shalt  }
0x5c: {  	_ =	shalt  }
0x5d: {  	_ =	shalt  }
0x5e: {  	_ =	shalt  }
0x5f: {  	_ =	shalt  }
0x60: {  	_ =	shalt  }
0x61: {  	_ =	shalt  }
0x62: {  	_ =	shalt  }
0x63: {  	_ =	shalt  }
0x64: {  	_ =	shalt  }
0x65: {  	_ =	shalt  }
0x66: {  	_ =	shalt  }
0x67: {  	_ =	shalt  }
0x68: {  	_ =	shalt  }
0x69: {  	_ =	shalt  }
0x6a: {  	_ =	shalt  }
0x6b: {  	_ =	shalt  }
0x6c: {  	_ =	shalt  }
0x6d: {  	_ =	shalt  }
0x6e: {  	_ =	shalt  }
0x6f: {  	_ =	shalt  }
0x70: {  	_ =	shalt  }
0x71: {  	_ =	shalt  }
0x72: {  	_ =	shalt  }
0x73: {  	_ =	shalt  }
0x74: {  	_ =	shalt  }
0x75: {  	_ =	shalt  }
0x76: {  	_ =	shalt  }
0x77: {  	_ =	shalt  }
0x78: {  	_ =	shalt  }
0x79: {  	_ =	shalt  }
0x7a: {  	_ =	shalt  }
0x7b: {  	_ =	shalt  }
0x7c: {  	_ =	shalt  }
0x7d: {  	_ =	shalt  }
0x7e: {  	_ =	shalt  }
0x7f: {  	_ =	shalt  }
0x80: {  	_ =	shalt  }
0x81: {  	_ =	shalt  }
0x82: {  	_ =	shalt  }
0x83: {  	_ =	shalt  }
0x84: {  	_ =	shalt  }
0x85: {  	_ =	shalt  }
0x86: {  	_ =	shalt  }
0x87: {  	_ =	shalt  }
.Lfunc_end0:
.L_simem_size_0:
called_computation.1_lowered:
.L_overlay_start_0:
0x88: {  	s2 =	sld [smem:$0x3FD9]  }
0x89: {  	s3 =	sld [smem:$0x3FFE];
	_ =	sdelay $0x1  }
0x8a: {  	s1 =	srdreg.scid  }
0x8b: {  	s0 =	sand.u32 $0x1, s1  }
0x8c: {  	s17 =	sshll.u32 s0, $0xA;
	s2 =	sadd.s32 s3, s2  }
0x8d: {  	s2 =	sadd.s32 s2, s17  }
0x8e: {  	[smem:$0x3FC5] =	sst s2  }
0x8f: {  	_ = 	snop  }
0x90: {  	s2 =	sld [smem:$0x3FD0];
	(tm) =	ssettm $0x1  }
0x91: {  	s18 =	sld [smem:$0x3FFB];
	_ =	sdelay $0x3  }
0x92: {  	_ =	strace s18  }
0x93: {  	s3 =	sld [smem:$0x3FFC];
	_ =	sdelay $0x3  }
0x94: {  	_ =	strace s3  }
0x95: {  	s3 =	sld [smem:$0x3FFD];
	_ =	sdelay $0x3  }
0x96: {  	_ =	strace s3  }
0x97: {  	_ =	strace $0x8FFFFFFF  }
0x98: {  	s19 =	sld [smem:$0x3FDB];
	_ =	sdelay $0x1  }
0x99: {  	s4 =	simm.s32 $_scs_section_size  }
0x9a: {  	s5 =	simm.s32 $_size__tile_overlayer_lowered;
	s6 =	simm.s32 $_tile_overlayer_lowered  }
0x9b: {  	s22 =	simm.s32 $0x1BFF;
	s21 =	sshll.u32 s6, $0x1;
	s3 =	sadd.s32 s4, s19  }
0x9c: {  	s7 =	simm.s32 $0x0;
	s20 =	sshll.u32 s5, $0x1;
	s5 =	sadd.s32 s21, s3  }
0x9d: {  	[timem:s7], [sflag:s22] =	dma.local [hbm:s5], s20  }
0x9e: {  	_ =	swait.ge [sflag:s22], s20  }
0x9f: {  	s4 =	ssub.s32 $0x0, s20;
	[sflag:s22] =	ssyncset.done $0x0  }
0xa0: {  	[sflag:s22] =	ssyncadd.s32 s4;
	_ =	sdelay $0x1  }
0xa1: {  	s23 =	simm.s32 $0x1B8B  }
0xa2: {  	_ =	swait.ge [sflag:s23], $0x1  }
0xa3: {  	[sflag:s23] =	ssyncset.done $0x0  }
0xa4: {  	s25 =	simm.s32 $0x1B8E;
	s24 =	sld [smem:$0x3FFE];
	[sflag:s23] =	ssyncadd.s32 $0xFFFFFFFF  }
0xa5: {  	s26 =	simm.s32 $execute0_lowered;
	[smem:$0x3FD2] =	sst s25  }
0xa6: {  	s5 =	sshll.u32 s26, $0x1;
	_ =	strace $0x80000046;
	[dreg:$0x1] =	wrdreg $0xFFFFFFFF  }
0xa7: {  	s28 =	simm.s32 $_size_execute0_lowered;
	s3 =	sadd.s32 s3, s5;
	[dreg:$0x0] =	wrdreg $0x0  }
0xa8: {  	s5 =	sshll.u32 s28, $0x1;
	[dreg:$0x2] =	wrdreg s3  }
0xa9: {  	[dreg:$0x3] =	wrdreg s5  }
0xaa: {  	[dreg:$0x4] =	wrdreg $0xC0  }
0xab: {  	_ =	task [dreg:s7], $0x5FFFF  }
0xac: {  	[dreg:$0x1] =	wrdreg $0xFFFFFFFF  }
0xad: {  	[dreg:$0x0] =	wrdreg $0x60  }
0xae: {  	[dreg:$0x2] =	wrdreg s24  }
0xaf: {  	[dreg:$0x3] =	wrdreg s2  }
0xb0: {  	[dreg:$0x4] =	wrdreg $0x9  }
0xb1: {  	_ =	task.clear_ibuf [dreg:s7], $0x5FFFF;
	_ =	strace $0x90000046  }
0xb2: {  	s29 =	simm.s32 $0x9;
	_ =	strace $0x80000048  }
0xb3: {  	_ =	swait.ge [sflag:s29], $0x1  }
0xb4: {  	[sflag:s29] =	ssyncadd.s32 $0xFFFFFFFF  }
0xb5: {  	_ =	strace $0x90000048  }
0xb6: {  	_ =	sfence  }
0xb7: {  	s30 =	sld [smem:$0x0];
	_ =	sdelay $0x2  }
0xb8: {  	s31 =	sshll.u32 s1, $0xD;
	s1 =	sshrl.u32 s1, $0x2  }
0xb9: {  	s3 =	sand.u32 $0x4000, s31;
	s1 =	sadd.s32 s1, s30  }
0xba: {  	s0 =	sor.u32 s3, s0;
	s1 =	sshll.u32 s1, $0x11  }
0xbb: {  	s0 =	sor.u32 s1, s0  }
0xbc: {  	s0 =	sadd.s32 $0x8F2B, s0  }
0xbd: {  	[sflag:s0] =	ssyncadd.remote.s32 $0x1  }
0xbe: {  	_ =	sfence.sel $0xFFFF  }
0xbf: {  	[dreg:$0x0] =	wrdreg $0xFFFFFFFF;
	(pc) =	sbr.abs _section_cstart, $3  }
0xc0: {  	[dreg:$0x1] =	wrdreg $0xFFFFFFFF  }
0xc1: {  	_ =	task.clear_ibuf [dreg:s7], $0x2FFFF;
	_ =	strace $0x9FFFFFFF  }
0xc2: {  	(tm) =	ssettm $0x7FFFFFFF  }
0xc3: {  	_ =	shalt  }
tec
execute0_lowered:
.L_overlay_start_1:
0x0: {  	(tag) =	ssettag $0x1  }
0x1: {  	s1 =	srdreg.scid;
	s6 =	rddreg [dreg:$0x0]  }
0x2: {  	s0 =	stileid.u32;
	s2 =	rddreg [dreg:$0x1]  }
0x3: {  	s4 =	simm.s32 $0x0;
	s10 =	simm.s32 $0x5;
	s11 =	simm.s32 $0x320  }
0x4: {  	s12 =	simm.s32 $0x6400;
	s13 =	simm.s32 $0xC800;
	s14 =	simm.s32 $0x1  }
0x5: {  	s15 =	simm.s32 $0x2;
	s5 =	sand.u32 $0x1, s1;
	s31 =	sshll.u32 s0, $0x1  }
0x6: {  	s16 =	simm.s32 $0x3;
	s17 =	simm.s32 $0x4;
	s1 =	sor.u32 s5, s31  }
0x7: {  	s18 =	simm.s32 $0x0;
	[smem:$0x7FF] =	sst s4;
	s3 =	smul.u32 $0x6400, s1  }
0x8: {  	s8 =	ssub.s32 $0x2, s5;
	s5 =	sadd.s32 $0xF43000, s6;
	s1 =	rddreg [dreg:$0x2]  }
0x9: {  	_ =	strace $0x80000047;
	s9 =	sshrl.u32 s8, $0x1;
	s7 =	sshrl.u32 s3, $0x3  }
0xa: {  	s8 =	ssub.s32 s8, s9;
	s9 =	simm.s32 $0x12C00;
	s7 =	sadd.s32 s7, s6  }
0xb: {  	s8 =	smax.u32 s8, $0x1;
	s6 =	sadd.s32 $0x19C00, s6;
	s7 =	sadd.s32 $0xC00, s7  }
.LBB2_1:
0xc: {  	[tilespmem:s9], [sflag:$0x5] =	stream.linear.gather [hbm4b:s6+s4], $0x1900, $0x38;
	[tilespmem:$0x14500] =	vst v63  }
0xd: {  	_ =	swait.ge [sflag:s10], $0x1900  }
0xe: {  	[sflag:s10] =	ssyncset.done $0x0  }
0xf: {  	[sflag:s10] =	ssyncadd.s32 $0xFFFFE700  }
0x10: {  	[tilespmem:s4], [sflag:$0x5] =	stream.linear.gather [hbm4b:s7+s4], $0x6400, $0x38;
	[tilespmem:$0x14500] =	vst v63  }
0x11: {  	_ =	swait.ge [sflag:s10], $0x6400  }
0x12: {  	[sflag:s10] =	ssyncset.done $0x0  }
0x13: {  	s19 =	simm.s32 $0x0;
	[sflag:s10] =	ssyncadd.s32 $0xFFFF9C00  }
0x14: {  	[tilespmem:s12], [sflag:$0x1] =	stream.indirect.gather [hbm4b:s5+s11], $0x20, s4, s11, $0xb8;
	[tilespmem:$0x14500] =	vst v63  }
.LBB2_2:
0x15: {  	p0 =	seq.s32 s19, $0x0  }
0x16: {  	s20 =	sshllo.u32 s19, $0x1;
	s21 =	simm.s32 @!p0 $0x4  }
0x17: {  	s22 =	smul.u32 $0xC80, s20;
	_ =	swait.ge @!p0 [sflag:s21], $0x6400  }
0x18: {  	[sflag:s21] =	ssyncset.done @!p0 $0x0  }
0x19: {  	s31 =	sshra.s32 s22, $0x2;
	[sflag:s21] =	ssyncadd.s32 @!p0 $0xFFFF9C00  }
0x1a: {  	[tilespmem:s13], [sflag:$0x2] =	stream.indirect.gather [hbm4b:s5+s11], $0x20, s31, s11, $0xb8;
	[tilespmem:$0x14500] =	vst v63  }
0x1b: {  	_ =	swait.ge [sflag:s14], $0x6400  }
0x1c: {  	[sflag:s14] =	ssyncset.done $0x0  }
0x1d: {  	s21 =	simm.s32 $0x6400;
	[sflag:s14] =	ssyncadd.s32 $0xFFFF9C00  }
0x1e: {  	v0 =	vld [tilespmem:s21+$0x4B00]  }
0x1f: {  	s22 =	simm.s32 $0x12C20;
	v2 =	vld [tilespmem:s21+$0x3200]  }
0x20: {  	v3 =	vld [tilespmem:s22+$0xFFFFFFE0]  }
0x21: {  	v4 =	vld [tilespmem:s21+$0x1900]  }
0x22: {  	v1 =	vld [tilespmem:s21+$0x4B10]  }
0x23: {  	v7 =	vld [tilespmem:s22+$0xFFFFFFF0]  }
0x24: {  	v6 =	vld [tilespmem:s21+$0x0]  }
0x25: {  	v5 =	vld [tilespmem:s21+$0x1910];
	v2 =	vadd.f32 v2, v3  }
0x26: {  	v8 =	vld [tilespmem:s21+$0x10];
	v4 =	vadd.f32 v4, v3  }
0x27: {  	v9 =	vld [tilespmem:s21+$0x3210];
	v0 =	vadd.f32 v0, v3;
	[tilespmem:s21+$0x3200] =	vst v2  }
0x28: {  	v1 =	vadd.f32 v1, v7;
	[tilespmem:s21+$0x1900] =	vst v4  }
0x29: {  	v2 =	vadd.f32 v6, v3;
	[tilespmem:s21+$0x4B00] =	vst v0;
	v0 =	vld [tilespmem:s21+$0x30]  }
0x2a: {  	v3 =	vadd.f32 v5, v7;
	[tilespmem:s21+$0x4B10] =	vst v1;
	v4 =	vld [tilespmem:s21+$0x20]  }
0x2b: {  	v5 =	vadd.f32 v8, v7;
	v1 =	vld [tilespmem:s21+$0x4B20];
	[tilespmem:s21+$0x0] =	vst v2  }
0x2c: {  	v6 =	vadd.f32 v9, v7;
	v8 =	vld [tilespmem:s21+$0x3220];
	[tilespmem:s21+$0x1910] =	vst v3  }
0x2d: {  	v2 =	vld [tilespmem:s21+$0x1920];
	[tilespmem:s21+$0x10] =	vst v5  }
0x2e: {  	[tilespmem:s21+$0x3210] =	vst v6;
	v5 =	vld [tilespmem:s21+$0x1930]  }
0x2f: {  	v6 =	vld [tilespmem:s22+$0x0]  }
0x30: {  	v3 =	vld [tilespmem:s22+$0x10]  }
0x31: {  	v7 =	vld [tilespmem:s21+$0x3230]  }
0x32: {  	s24 =	simm.s32 $0x0;
	s23 =	simm.s32 $0x6400;
	v9 =	vld [tilespmem:s21+$0x4B30]  }
.LBB2_3:
0x33: {  	s24 =	sadd.s32 $0x2, s24;
	s21 =	sadd.s32 $0x40, s21;
	s22 =	sadd.s32 $0x40, s22  }
0x34: {  	p0 =	slt.u32 s24, $0xC6;
	v4 =	vadd.f32 v4, v6;
	v8 =	vadd.f32 v8, v6  }
0x35: {  	v2 =	vadd.f32 v2, v6;
	v5 =	vadd.f32 v5, v3  }
0x36: {  	v0 =	vadd.f32 v0, v3;
	[tilespmem:s23+$0x20] =	vst v4;
	v4 =	vadd.f32 v7, v3  }
0x37: {  	v1 =	vadd.f32 v1, v6;
	[tilespmem:s23+$0x1920] =	vst v2;
	v2 =	vadd.f32 v9, v3  }
0x38: {  	[tilespmem:s23+$0x30] =	vst v0  }
0x39: {  	[tilespmem:s23+$0x3220] =	vst v8  }
0x3a: {  	v0 =	vld [tilespmem:s21+$0x4B00];
	[tilespmem:s23+$0x4B20] =	vst v1  }
0x3b: {  	v1 =	vld [tilespmem:s21+$0x4B10];
	[tilespmem:s23+$0x4B30] =	vst v2  }
0x3c: {  	v2 =	vld [tilespmem:s21+$0x1910];
	[tilespmem:s23+$0x1930] =	vst v5  }
0x3d: {  	v3 =	vld [tilespmem:s21+$0x3200];
	[tilespmem:s23+$0x3230] =	vst v4;
	s23 =	smov.u32 s21  }
0x3e: {  	v4 =	vld [tilespmem:s22+$0xFFFFFFE0]  }
0x3f: {  	v5 =	vld [tilespmem:s21+$0x1900]  }
0x40: {  	v6 =	vld [tilespmem:s21+$0x10]  }
0x41: {  	v7 =	vld [tilespmem:s21+$0x0]  }
0x42: {  	v8 =	vld [tilespmem:s22+$0xFFFFFFF0]  }
0x43: {  	v3 =	vadd.f32 v3, v4;
	v9 =	vld [tilespmem:s21+$0x3210];
	v0 =	vadd.f32 v0, v4  }
0x44: {  	v5 =	vadd.f32 v5, v4  }
0x45: {  	[tilespmem:s21+$0x3200] =	vst v3  }
0x46: {  	v3 =	vadd.f32 v7, v4;
	[tilespmem:s21+$0x1900] =	vst v5  }
0x47: {  	v5 =	vadd.f32 v2, v8;
	[tilespmem:s21+$0x4B00] =	vst v0;
	v1 =	vadd.f32 v1, v8;
	v0 =	vld [tilespmem:s21+$0x30]  }
0x48: {  	[tilespmem:s21+$0x0] =	vst v3;
	v3 =	vadd.f32 v6, v8;
	v6 =	vadd.f32 v9, v8;
	v2 =	vld [tilespmem:s21+$0x1920]  }
0x49: {  	[tilespmem:s21+$0x4B10] =	vst v1;
	v4 =	vld [tilespmem:s21+$0x20]  }
0x4a: {  	[tilespmem:s21+$0x1910] =	vst v5;
	v1 =	vld [tilespmem:s21+$0x4B20]  }
0x4b: {  	[tilespmem:s21+$0x10] =	vst v3;
	v8 =	vld [tilespmem:s21+$0x3220]  }
.Ltmp0:
0x4c: {  	[tilespmem:s21+$0x3210] =	vst v6;
	v5 =	vld [tilespmem:s21+$0x1930];
	(pc) =	sbr.rel @p0 .LBB2_3-.Ltmp0, $4  }
0x4d: {  	v6 =	vld [tilespmem:s22+$0x0]  }
0x4e: {  	v3 =	vld [tilespmem:s22+$0x10]  }
0x4f: {  	v7 =	vld [tilespmem:s21+$0x3230]  }
0x50: {  	v9 =	vld [tilespmem:s21+$0x4B30]  }
0x51: {  	_ = 	snop  }
0x52: {  	v4 =	vadd.f32 v4, v6  }
0x53: {  	v2 =	vadd.f32 v2, v6  }
0x54: {  	v1 =	vadd.f32 v1, v6;
	[tilespmem:s23+$0x20] =	vst v4  }
0x55: {  	v0 =	vadd.f32 v0, v3;
	[tilespmem:s23+$0x1920] =	vst v2  }
0x56: {  	v4 =	vadd.f32 v8, v6;
	[tilespmem:s23+$0x4B20] =	vst v1  }
0x57: {  	s21 =	smul.u32 $0x640, s19;
	v2 =	vadd.f32 v5, v3;
	[tilespmem:s23+$0x30] =	vst v0  }
0x58: {  	v1 =	vadd.f32 v7, v3;
	[tilespmem:s23+$0x3220] =	vst v4  }
0x59: {  	s21 =	sadd.s32 s3, s21;
	v0 =	vadd.f32 v9, v3;
	[tilespmem:s23+$0x1930] =	vst v2  }
0x5a: {  	s21 =	sshll.u32 s21, $0x2;
	[tilespmem:s23+$0x3230] =	vst v1  }
0x5b: {  	p0 =	seq.s32 s19, $0xF;
	s21 =	sadd.s32 s2, s21;
	[tilespmem:s23+$0x4B30] =	vst v0  }
0x5c: {  	[hbm4b:s21+s4] =	stream.linear.scatter [tilespmem:s12], [sflag:$0x3], $0x6400, $0x38;
	[tilespmem:$0x14500] =	vst v63  }
0x5d: {  	s21 =	simm.s32 @!p0 $0x3  }
0x5e: {  	s22 =	smul.u32 @!p0 $0x1900, s19;
	_ =	swait.ge @!p0 [sflag:s21], $0x6400  }
0x5f: {  	[sflag:s21] =	ssyncset.done @!p0 $0x0  }
0x60: {  	[sflag:s21] =	ssyncadd.s32 @!p0 $0xFFFF9C00;
	s21 =	sshra.s32 @!p0 s22, $0x2  }
0x61: {  	s23 =	simm.s32 @!p0 $0x6400;
	s22 =	simm.s32 @!p0 $0x320;
	s21 =	sadd.s32 @!p0 $0x640, s21  }
0x62: {  	[tilespmem:s23], [sflag:$0x1] =	stream.indirect.gather @!p0 [hbm4b:s5+s22], $0x20, s21, s22, $0xb8;
	[tilespmem:$0x14500] =	vst v63  }
0x63: {  	_ =	swait.ge [sflag:s15], $0x6400  }
0x64: {  	[sflag:s15] =	ssyncset.done $0x0  }
0x65: {  	s21 =	simm.s32 $0x0;
	[sflag:s15] =	ssyncadd.s32 $0xFFFF9C00  }
0x66: {  	v2 =	vld [tilespmem:s21+$0x12C30]  }
0x67: {  	v0 =	vld [tilespmem:s21+$0x12C20]  }
0x68: {  	v4 =	vld [tilespmem:s21+$0xFA10]  }
0x69: {  	v3 =	vld [tilespmem:s21+$0x11310]  }
0x6a: {  	v5 =	vld [tilespmem:s21+$0x11320]  }
0x6b: {  	v10 =	vld [tilespmem:s21+$0xE130]  }
0x6c: {  	v1 =	vld [tilespmem:s21+$0x12C10]  }
0x6d: {  	v6 =	vld [tilespmem:s21+$0xC800]  }
0x6e: {  	v8 =	vld [tilespmem:s21+$0xFA20]  }
0x6f: {  	v13 =	vld [tilespmem:s21+$0xC820]  }
0x70: {  	v7 =	vld [tilespmem:s21+$0x11300]  }
0x71: {  	v18 =	vld [tilespmem:s21+$0x11330]  }
0x72: {  	v9 =	vld [tilespmem:s21+$0x12C00]  }
0x73: {  	v19 =	vld [tilespmem:s21+$0xFA30]  }
0x74: {  	v16 =	vld [tilespmem:s21+$0xFA00]  }
0x75: {  	v11 =	vld [tilespmem:s21+$0xE110]  }
0x76: {  	v12 =	vld [tilespmem:s21+$0xE100];
	v14 =	vadd.f32 v5, v0;
	v5 =	vadd.f32 v8, v0  }
0x77: {  	v15 =	vld [tilespmem:s21+$0xC810];
	v8 =	vadd.f32 v13, v0;
	v17 =	vadd.f32 v10, v2  }
0x78: {  	s22 =	simm.s32 $0x0;
	s23 =	simm.s32 $0x100;
	v13 =	vld [tilespmem:s21+$0xC830];
	v10 =	vadd.f32 v18, v2;
	[tilespmem:s21+$0xFA20] =	vst v5;
	v5 =	vadd.f32 v19, v2  }
.LBB2_5:
0x79: {  	s24 =	sshra.s32 s23, $0x2;
	s22 =	sadd.s32 $0x2, s22;
	v16 =	vadd.f32 v16, v9;
	v4 =	vadd.f32 v4, v1;
	v18 =	vld [tilespmem:s21+$0xE120];
	[tilespmem:s21+$0x11320] =	vst v14  }
0x7a: {  	v6 =	vadd.f32 v6, v9;
	v3 =	vadd.f32 v3, v1;
	v14 =	vld [tilespmem:s24+$0x12C30];
	p0 =	slt.u32 s22, $0xC6;
	[tilespmem:s21+$0xE130] =	vst v17  }
0x7b: {  	v7 =	vadd.f32 v7, v9;
	v17 =	vld [tilespmem:s24+$0x12C20];
	v12 =	vadd.f32 v12, v9;
	[tilespmem:s21+$0xFA10] =	vst v4  }
0x7c: {  	v11 =	vadd.f32 v11, v1;
	v4 =	vld [tilespmem:s24+$0xFA10];
	v9 =	vadd.f32 v15, v1;
	[tilespmem:s21+$0x11310] =	vst v3  }
0x7d: {  	v3 =	vld [tilespmem:s24+$0x11310];
	[tilespmem:s21+$0xFA00] =	vst v16;
	v1 =	vadd.f32 v13, v2  }
0x7e: {  	v13 =	vld [tilespmem:s24+$0x11320];
	[tilespmem:s21+$0xC810] =	vst v9;
	v9 =	vadd.f32 v18, v0  }
0x7f: {  	v18 =	vld [tilespmem:s24+$0xE130];
	[tilespmem:s21+$0xC830] =	vst v1;
	v2 =	vmov v14  }
0x80: {  	v1 =	vld [tilespmem:s24+$0x12C10];
	[tilespmem:s21+$0xC800] =	vst v6;
	v0 =	vmov v17  }
0x81: {  	v6 =	vld [tilespmem:s24+$0xC800];
	[tilespmem:s21+$0xE120] =	vst v9  }
0x82: {  	v15 =	vld [tilespmem:s24+$0xFA20];
	[tilespmem:s21+$0xC820] =	vst v8  }
0x83: {  	v8 =	vld [tilespmem:s24+$0xC820];
	[tilespmem:s21+$0x11300] =	vst v7  }
0x84: {  	v7 =	vld [tilespmem:s24+$0x11300];
	[tilespmem:s21+$0x11330] =	vst v10  }
0x85: {  	v14 =	vadd.f32 v13, v0;
	v10 =	vld [tilespmem:s24+$0x11330];
	[tilespmem:s21+$0xE100] =	vst v12  }
0x86: {  	v9 =	vld [tilespmem:s24+$0x12C00];
	[tilespmem:s21+$0xFA30] =	vst v5  }
0x87: {  	v5 =	vld [tilespmem:s24+$0xFA30];
	[tilespmem:s21+$0xE110] =	vst v11;
	s21 =	smov.u32 s24  }
.Ltmp1:
0x88: {  	v16 =	vld [tilespmem:s21+$0xFA00];
	(pc) =	sbr.rel @p0 .LBB2_5-.Ltmp1, $4  }
0x89: {  	v11 =	vld [tilespmem:s21+$0xE110]  }
0x8a: {  	v19 =	vadd.f32 v15, v0;
	v12 =	vld [tilespmem:s21+$0xE100]  }
0x8b: {  	v17 =	vadd.f32 v18, v2;
	v8 =	vadd.f32 v8, v0;
	v15 =	vld [tilespmem:s21+$0xC810]  }
0x8c: {  	s23 =	sadd.s32 $0x100, s23;
	v10 =	vadd.f32 v10, v2;
	v13 =	vld [tilespmem:s21+$0xC830];
	[tilespmem:s21+$0xFA20] =	vst v19;
	v5 =	vadd.f32 v5, v2  }
0x8d: {  	[tilespmem:s21+$0x11320] =	vst v14  }
0x8e: {  	[tilespmem:s21+$0xE130] =	vst v17  }
0x8f: {  	[tilespmem:s21+$0xC820] =	vst v8  }
0x90: {  	v4 =	vadd.f32 v4, v1;
	[tilespmem:s21+$0x11330] =	vst v10  }
0x91: {  	v3 =	vadd.f32 v3, v1;
	[tilespmem:s21+$0xFA30] =	vst v5  }
0x92: {  	v58 =	vadd.f32 v16, v9;
	[tilespmem:s21+$0xFA10] =	vst v4  }
0x93: {  	v60 =	vadd.f32 v6, v9;
	[tilespmem:s21+$0x11310] =	vst v3  }
0x94: {  	v18 =	vld [tilespmem:s21+$0xE120];
	v61 =	vadd.f32 v7, v9;
	[tilespmem:s21+$0xFA00] =	vst v58  }
0x95: {  	v63 =	vadd.f32 v11, v1;
	[tilespmem:s21+$0xC800] =	vst v60  }
0x96: {  	s20 =	smul.u32 $0x320, s20;
	s19 =	sadd.s32 $0x1, s19;
	v62 =	vadd.f32 v12, v9;
	[tilespmem:s21+$0x11300] =	vst v61  }
0x97: {  	p0 =	sne.s32 s19, $0x10;
	v59 =	vadd.f32 v15, v1;
	[tilespmem:s21+$0xE110] =	vst v63  }
.Ltmp2:
0x98: {  	s20 =	sadd.s32 s3, s20;
	v2 =	vadd.f32 v13, v2;
	[tilespmem:s21+$0xE100] =	vst v62;
	(pc) =	sbr.rel @p0 .LBB2_2-.Ltmp2, $4  }
0x99: {  	s20 =	sshll.u32 s20, $0x2;
	[tilespmem:s21+$0xC810] =	vst v59;
	v0 =	vadd.f32 v18, v0  }
0x9a: {  	s20 =	sand.u32 $0x1FFFFF80, s20;
	[tilespmem:s21+$0xC830] =	vst v2  }
0x9b: {  	s20 =	sadd.s32 s2, s20;
	[tilespmem:s21+$0xE120] =	vst v0  }
0x9c: {  	[hbm4b:s20+s4] =	stream.linear.scatter [tilespmem:s13], [sflag:$0x4], $0x6400, $0x38;
	[tilespmem:$0x14500] =	vst v63  }
0x9d: {  	s18 =	sadd.s32 $0x1, s18  }
0x9e: {  	_ =	swait.ge [sflag:s16], $0x6400;
	p0 =	sne.s32 s18, s8  }
.Ltmp3:
0x9f: {  	[sflag:s16] =	ssyncset.done $0x0;
	(pc) =	sbr.rel @p0 .LBB2_1-.Ltmp3, $4  }
0xa0: {  	[sflag:s16] =	ssyncadd.s32 $0xFFFF9C00  }
0xa1: {  	_ =	swait.ge [sflag:s17], $0x6400  }
0xa2: {  	[sflag:s17] =	ssyncset.done $0x0  }
0xa3: {  	[sflag:s17] =	ssyncadd.s32 $0xFFFF9C00  }
0xa4: {  	_ =	sfence.sel $0x180000  }
0xa5: {  	[bflag:$0x0] =	sbarrier.arrive $0xFFFF  }
0xa6: {  	p0 =	sne.s32 s0, $0x0;
	_ =	strace $0x90000047  }
0xa7: {  	s0 =	sadd.s32 @!p0 $0x100000, s1;
	[bflag:$0x2] =	sbarrier.arrive $0xFFFF  }
0xa8: {  	[sflag:s0] =	ssyncadd.tile.s32 @!p0 $0x1;
	_ =	shalt  }
.Lfunc_end2:
_tile_overlayer_lowered:
.L_overlay_start_2:
0xa9: {  	(tag) =	ssettag $0x2  }
0xaa: {  	s0 =	rddreg [dreg:$0x0];
	s2 =	stileid.u32  }
0xab: {  	s1 =	rddreg [dreg:$0x1];
	p0 =	sne.s32 s2, $0x0  }
0xac: {  	s3 =	rddreg [dreg:$0x2];
	[bflag:$0x3] =	sbarrier.arrive $0xFFFF;
	s2 =	simm.s32 @!p0 $0x1C05  }
0xad: {  	[timem:s3], [sflag:s2] =	dma.local @!p0 [hbm:s0], s1  }
0xae: {  	s0 =	simm.s32 @!p0 $0x5  }
0xaf: {  	_ =	swait.ge @!p0 [sflag:s0], s1  }
0xb0: {  	s1 =	ssub.s32 @!p0 $0x0, s1;
	[sflag:s0] =	ssyncset.done @!p0 $0x0  }
0xb1: {  	[sflag:s0] =	ssyncadd.s32 @!p0 s1  }
0xb2: {  	[bflag:$0x3] =	sbarrier.arrive $0xFFFF  }
0xb3: {  	_ =	shalt  }

// kernel: sparse-core-data-format-call.cloned.1.call-start
scs
called_computation_lowered:
.L_overlay_start_0:
0x0: {  	s2 =	sld [smem:$0x3FD9]  }
0x1: {  	s3 =	sld [smem:$0x3FFE];
	_ =	sdelay $0x1  }
0x2: {  	s1 =	srdreg.scid  }
0x3: {  	s0 =	sand.u32 $0x1, s1  }
0x4: {  	s18 =	sshll.u32 s0, $0xA;
	s2 =	sadd.s32 s3, s2  }
0x5: {  	s2 =	sadd.s32 s2, s18  }
0x6: {  	[smem:$0x3FC5] =	sst s2  }
0x7: {  	_ = 	snop  }
0x8: {  	s2 =	sld [smem:$0x3FD0];
	(tm) =	ssettm $0x1  }
0x9: {  	s19 =	sld [smem:$0x3FFB];
	_ =	sdelay $0x3  }
0xa: {  	_ =	strace s19  }
0xb: {  	s3 =	sld [smem:$0x3FFC];
	_ =	sdelay $0x3  }
0xc: {  	_ =	strace s3  }
0xd: {  	s3 =	sld [smem:$0x3FFD];
	_ =	sdelay $0x3  }
0xe: {  	_ =	strace s3  }
0xf: {  	_ =	strace $0x8FFFFFFF  }
0x10: {  	s20 =	sld [smem:$0x3FDB];
	_ =	sdelay $0x1  }
0x11: {  	s4 =	simm.s32 $_scs_section_size  }
0x12: {  	s5 =	simm.s32 $_size__tile_overlayer_lowered;
	s6 =	simm.s32 $_tile_overlayer_lowered  }
0x13: {  	s23 =	simm.s32 $0x1BFF;
	s22 =	sshll.u32 s6, $0x1;
	s3 =	sadd.s32 s4, s20  }
0x14: {  	s7 =	simm.s32 $0x0;
	s21 =	sshll.u32 s5, $0x1;
	s5 =	sadd.s32 s22, s3  }
0x15: {  	[timem:s7], [sflag:s23] =	dma.local [hbm:s5], s21  }
0x16: {  	_ =	swait.ge [sflag:s23], s21  }
0x17: {  	s4 =	ssub.s32 $0x0, s21;
	[sflag:s23] =	ssyncset.done $0x0  }
0x18: {  	[sflag:s23] =	ssyncadd.s32 s4;
	_ =	sdelay $0x1  }
0x19: {  	s24 =	simm.s32 $0x1B8B  }
0x1a: {  	_ =	swait.ge [sflag:s24], $0x1  }
0x1b: {  	[sflag:s24] =	ssyncset.done $0x0  }
0x1c: {  	s26 =	simm.s32 $0x1B8E;
	s25 =	sld [smem:$0x3FFE];
	[sflag:s24] =	ssyncadd.s32 $0xFFFFFFFF  }
0x1d: {  	s27 =	simm.s32 $execute0_lowered;
	[smem:$0x3FD2] =	sst s26  }
0x1e: {  	s5 =	sshll.u32 s27, $0x1;
	_ =	strace $0x80000049;
	[dreg:$0x1] =	wrdreg $0xFFFFFFFF  }
0x1f: {  	s28 =	simm.s32 $_size_execute0_lowered;
	s3 =	sadd.s32 s3, s5;
	[dreg:$0x0] =	wrdreg $0x0  }
0x20: {  	s5 =	sshll.u32 s28, $0x1;
	[dreg:$0x2] =	wrdreg s3  }
0x21: {  	[dreg:$0x3] =	wrdreg s5  }
0x22: {  	[dreg:$0x4] =	wrdreg $0xC0  }
0x23: {  	_ =	task [dreg:s7], $0x5FFFF  }
0x24: {  	[dreg:$0x1] =	wrdreg $0xFFFFFFFF  }
0x25: {  	[dreg:$0x0] =	wrdreg $0x60  }
0x26: {  	[dreg:$0x2] =	wrdreg s25  }
0x27: {  	[dreg:$0x3] =	wrdreg s2  }
0x28: {  	[dreg:$0x4] =	wrdreg $0x9  }
0x29: {  	_ =	task.clear_ibuf [dreg:s7], $0x5FFFF;
	_ =	strace $0x90000049  }
0x2a: {  	s29 =	simm.s32 $0x9;
	_ =	strace $0x8000004B  }
0x2b: {  	_ =	swait.ge [sflag:s29], $0x1  }
0x2c: {  	[sflag:s29] =	ssyncadd.s32 $0xFFFFFFFF  }
0x2d: {  	_ =	strace $0x9000004B  }
0x2e: {  	_ =	sfence  }
0x2f: {  	s30 =	sld [smem:$0x0];
	_ =	sdelay $0x2  }
0x30: {  	s31 =	sshll.u32 s1, $0xD;
	s1 =	sshrl.u32 s1, $0x2  }
0x31: {  	s3 =	sand.u32 $0x4000, s31;
	s1 =	sadd.s32 s1, s30  }
0x32: {  	s0 =	sor.u32 s3, s0;
	s1 =	sshll.u32 s1, $0x11  }
0x33: {  	s0 =	sor.u32 s1, s0  }
0x34: {  	s0 =	sadd.s32 $0x8F2B, s0  }
0x35: {  	[sflag:s0] =	ssyncadd.remote.s32 $0x1  }
0x36: {  	_ =	sfence.sel $0xFFFF  }
0x37: {  	[dreg:$0x0] =	wrdreg $0xFFFFFFFF;
	(pc) =	sbr.abs _section_cstart, $3  }
0x38: {  	[dreg:$0x1] =	wrdreg $0xFFFFFFFF  }
0x39: {  	_ =	task.clear_ibuf [dreg:s7], $0x2FFFF;
	_ =	strace $0x9FFFFFFF  }
0x3a: {  	(tm) =	ssettm $0x7FFFFFFF  }
0x3b: {  	_ =	shalt  }
tec
execute0_lowered:
.L_overlay_start_1:
0x0: {  	(tag) =	ssettag $0x1  }
0x1: {  	s0 =	srdreg.scid  }
0x2: {  	s1 =	sshll.u32 s0, $0x4  }
0x3: {  	s0 =	stileid.u32;
	s1 =	sand.u32 $0x10, s1  }
0x4: {  	s1 =	sor.u32 s0, s1  }
0x5: {  	s6 =	rddreg [dreg:$0x0];
	s4 =	simm.s32 $0x1;
	s2 =	sshll.u32 s1, $0x7  }
0x6: {  	s7 =	simm.s32 $0x2;
	s12 =	simm.s32 $0x0;
	s1 =	ssub.s32 $0x1000, s2  }
0x7: {  	s8 =	simm.s32 $0x8000;
	s13 =	simm.s32 $0x0;
	s3 =	sand.u32 $0xF80, s1  }
0x8: {  	s9 =	simm.s32 $0x0;
	s5 =	sshrl.u32 s1, $0xC;
	p0 =	sne.s32 s3, $0x0  }
.Ltmp0:
0x9: {  	s1 =	rddreg [dreg:$0x2];
	s4 =	simm.s32 @!p0 $0x0;
	(pc) =	sbr.rel .LBB1_1-.Ltmp0, $4  }
0xa: {  	s11 =	simm.s32 $0x0;
	s3 =	rddreg [dreg:$0x1];
	s5 =	sadd.s32 s4, s5  }
0xb: {  	_ =	strace $0x8000004A;
	s4 =	simm.s32 $0x1;
	s5 =	smul.u32 $0xC8, s5  }
0xc: {  	s6 =	sadd.s32 $0xC00, s6;
	s10 =	smov.u32 s2;
	[sflag:s4] =	ssyncpa.u1 $0x0  }
0xd: {  	p0 =	por $0x0, $0x0;
	[sflag:s7] =	ssyncpa.u1 $0x0;
	s7 =	sor.u32 $0x1, s5  }
.LBB1_4:
0xe: {  	s16 =	sshll.u32 s13, $0x3;
	s17 =	sand.u32 $0x78, s13  }
0xf: {  	s30 =	sand.u32 $0x3E00, s13;
	s12 =	sshll.u32 s12, $0xE;
	s16 =	sand.u32 $0xC00, s16  }
0x10: {  	s31 =	sand.u32 $0x7, s13;
	s16 =	sor.u32 s17, s16;
	s17 =	sadd.s32 s3, s30  }
0x11: {  	s13 =	sshll.u32 s31, $0x12;
	s16 =	sshrl.u32 s16, $0x3;
	s12 =	sadd.s32 s12, s17  }
0x12: {  	[tilespmem:s15+$0x0 ss:$0x81] =	vst.msk $0xffff, v0;
	s13 =	sor.u32 $0x400, s13;
	s12 =	sadd.s32 s16, s12  }
0x13: {  	[hbm4b:s12+s13] =	stream.strided.scatter [tilespmem:s14], [sflag:$0x2], $0x1000, s8, s13, $0x20;
	[tilespmem:$0x4040] =	vst v63  }
.LBB1_5:
0x14: {  	s14 =	sadd.s32 $0x1, s9  }
0x15: {  	s12 =	sadd.s32 $0x1000, s10;
	s16 =	smov.u32 s10;
	p2 =	sgt.s32 s14, $0xC7  }
0x16: {  	s16 =	smov.u32 @p2 s12  }
0x17: {  	s14 =	simm.s32 @p2 $0x0;
	p2 =	sgt.s32 s16, $0xFFF  }
0x18: {  	s16 =	smov.u32 @p2 s2;
	p2 =	sne.s32 s11, s7  }
.Ltmp1:
0x19: {  	p1 =	slt.u32 s11, $0x2;
	(pc) =	sbr.rel @!p2 .LBB1_6-.Ltmp1, $4  }
0x1a: {  	s15 =	simm.s32 @!p1 $0x2  }
0x1b: {  	s13 =	smov.u32 s10;
	p0 =	por !p0, !p0;
	_ =	swait.ge @!p1 [sflag:s15], $0x1000  }
0x1c: {  	s12 =	smov.u32 s9;
	[sflag:s15] =	ssyncset.done @!p1 $0x0;
	s9 =	smov.u32 s14  }
0x1d: {  	s11 =	sadd.s32 $0x1, s11;
	[sflag:s15] =	ssyncadd.s32 @!p1 $0xFFFFF000;
	s10 =	smov.u32 s16  }
.LBB1_1:
0x1e: {  	p1 =	sge.u32 s11, s5  }
0x1f: {  	s14 =	sand.u32 @!p1 $0x1FFFFFF, s9  }
0x20: {  	s15 =	smulhi.u32 @!p1 $0x147AE15, s14;
	_ =	sdelay $0x1  }
0x21: {  	s15 =	smul.u32 @!p1 $0xC8, s15  }
0x22: {  	s16 =	sxor.u32 @!p1 $0xFFFFFFFF, s11;
	s17 =	smul.u32 @!p1 $0xC80, s10  }
0x23: {  	s31 =	sadd.s32 $0xFFFFFFFF, s11;
	s16 =	sshll.u32 @!p1 s16, $0xC;
	s14 =	ssub.s32 @!p1 s14, s15  }
0x24: {  	s15 =	sand.u32 @!p1 $0x1000, s16;
	s16 =	sadd.s32 @!p1 s6, s17;
	s14 =	sshll.u32 @!p1 s14, $0x4  }
0x25: {  	s17 =	simm.s32 @!p1 $0x6400;
	s14 =	sadd.s32 @!p1 s14, s16;
	s16 =	simm.s32 @!p1 $0x20  }
0x26: {  	[tilespmem:s15], [sflag:$0x1] =	stream.strided.gather @!p1 [hbm4b:s14+s16], $0x1000, s17, s16, $0x38;
	[tilespmem:$0x4040] =	vst v63  }
0x27: {  	p1 =	sge.u32 s31, s5  }
.Ltmp2:
0x28: {  	_ = 	snop;
	(pc) =	sbr.rel @p1 .LBB1_5-.Ltmp2, $1  }
0x29: {  	_ =	sdelay $0x3  }
0x2a: {  	s14 =	simm.s32 $0x1  }
0x2b: {  	_ =	swait.ge [sflag:s4], $0x1000;
	s14 =	simm.s32 @!p0 $0x0  }
0x2c: {  	[sflag:s4] =	ssyncset.done $0x0;
	s15 =	sshll.u32 s14, $0xC  }
0x2d: {  	[sflag:s4] =	ssyncadd.s32 $0xFFFFF000;
	s18 =	sor.u32 $0x10, s15  }
0x2e: {  	s14 =	smul.u32 $0x4080, s14;
	v1 =	vld [tilespmem:s18+$0x0]  }
0x2f: {  	s30 =	sand.u32 $0x1, s11;
	v0 =	vld [tilespmem:s18+$0xFFFFFFF0]  }
0x30: {  	s15 =	smul.u32 $0x4080, s30;
	s14 =	sshrl.u32 s14, $0x2  }
0x31: {  	s16 =	sor.u32 $0x2000, s14  }
0x32: {  	s31 =	sshrl.u32 s15, $0x2;
	s15 =	sadd.s32 $0x0, s16  }
0x33: {  	s17 =	simm.s32 $0x4;
	s18 =	sadd.s32 $0x20, s18;
	s14 =	sor.u32 $0x2000, s31;
	[tilespmem:s15+$0x810 ss:$0x81] =	vst.msk $0xffff, v1  }
.LBB1_3:
0x34: {  	v1 =	vld [tilespmem:s18+$0x0];
	p1 =	sne.s32 s17, $0x1FC;
	[tilespmem:s15+$0x0 ss:$0x81] =	vst.msk $0xffff, v0;
	s15 =	smov.u32 s17;
	s17 =	sadd.s32 $0x4, s17  }
.Ltmp3:
0x35: {  	v0 =	vld [tilespmem:s18+$0xFFFFFFF0];
	(pc) =	sbr.rel @p1 .LBB1_3-.Ltmp3, $4  }
0x36: {  	_ = 	snop  }
0x37: {  	s15 =	sshra.s32 s15, $0x2  }
0x38: {  	s15 =	sadd.s32 s15, s16  }
0x39: {  	s18 =	sadd.s32 $0x20, s18;
	[tilespmem:s15+$0x810 ss:$0x81] =	vst.msk $0xffff, v1  }
.Ltmp4:
0x3a: {  	_ = 	snop;
	(pc) =	sbr.rel .LBB1_4-.Ltmp4, $1  }
0x3b: {  	_ =	sdelay $0x3  }
.LBB1_6:
0x3c: {  	_ =	sfence.sel $0x180000  }
0x3d: {  	s2 =	simm.s32 $0x1;
	[bflag:$0x0] =	sbarrier.arrive $0xFFFF  }
0x3e: {  	s31 =	simm.s32 $0x2;
	[sflag:s2] =	ssyncpa.u1 $0x1  }
0x3f: {  	[sflag:s31] =	ssyncpa.u1 $0x1  }
0x40: {  	p0 =	sne.s32 s0, $0x0;
	_ =	strace $0x9000004A  }
0x41: {  	s0 =	sadd.s32 @!p0 $0x100000, s1;
	[bflag:$0x2] =	sbarrier.arrive $0xFFFF  }
0x42: {  	[sflag:s0] =	ssyncadd.tile.s32 @!p0 $0x1;
	_ =	shalt  }
.Lfunc_end1:
_tile_overlayer_lowered:
.L_overlay_start_2:
0x43: {  	(tag) =	ssettag $0x2  }
0x44: {  	s0 =	rddreg [dreg:$0x0];
	s2 =	stileid.u32  }
0x45: {  	s1 =	rddreg [dreg:$0x1];
	p0 =	sne.s32 s2, $0x0  }
0x46: {  	s3 =	rddreg [dreg:$0x2];
	[bflag:$0x3] =	sbarrier.arrive $0xFFFF;
	s2 =	simm.s32 @!p0 $0x1C01  }
0x47: {  	[timem:s3], [sflag:s2] =	dma.local @!p0 [hbm:s0], s1  }
0x48: {  	s0 =	simm.s32 @!p0 $0x1  }
0x49: {  	_ =	swait.ge @!p0 [sflag:s0], s1  }
0x4a: {  	s1 =	ssub.s32 @!p0 $0x0, s1;
	[sflag:s0] =	ssyncset.done @!p0 $0x0  }
0x4b: {  	[sflag:s0] =	ssyncadd.s32 @!p0 s1  }
0x4c: {  	[bflag:$0x3] =	sbarrier.arrive $0xFFFF  }
0x4d: {  	_ =	shalt  }

</sc_bundles>
